<compile_context>
chip_gen: v7x
topology: tpu7x:2x2x1
jax: 0.10.2.dev20260603
libtpu: 0.0.44.dev20260713+nightly
codegen_flags: <defaults>
</compile_context>

<pallas_src>
import functools

import jax
import jax.numpy as jnp
from jax import lax
from jax.experimental import pallas as pl
from jax.experimental.pallas import tpu as pltpu
from jax.experimental.pallas import tpu_sc as plsc

_K = 8192
_D = 256
_N = 16384
_TR = 256
_NT = _N // _TR


_WLO = (0, 2736, 5472)
_WHI = (2736, 5472, _K)


def _argmin_body(flat_ref, embb_ref, fn_ref, en_ref, idx_ref, loss_ref):
    import functools as _ft

    i = pl.program_id(0)

    @pl.when(i == 0)
    def _():
        loss_ref[0, 0] = 0.0

    flat = flat_ref[...]
    fn = fn_ref[...][:, None]
    mm = lax.dot_general(
        flat.astype(jnp.bfloat16), embb_ref[...],
        (((1,), (1,)), ((), ())),
        preferred_element_type=jnp.float32)
    dist = (fn + en_ref[...][None, :]) - 2.0 * mm

    inf = jnp.float32(jnp.inf)
    lane = lax.broadcasted_iota(jnp.int32, (_TR, 128), 1)
    inf_acc = jnp.full((_TR, 128), inf, jnp.float32)

    def tile_window(t):
        if t == 21:
            return [(0, lane < 48), (1, lane >= 48)]
        if t == 42:
            return [(1, lane < 96), (2, lane >= 96)]
        return [(0 if t < 21 else (1 if t < 42 else 2), None)]

    acc = [inf_acc, inf_acc, inf_acc]
    for t in range(64):
        blk = dist[:, t * 128:(t + 1) * 128]
        for w, msk in tile_window(t):
            piece = blk if msk is None else jnp.where(msk, blk, inf)
            acc[w] = jnp.minimum(acc[w], piece)
    wm = [jnp.min(a, axis=1) for a in acc]

    sel_v, sel_w = wm[0], jnp.zeros_like(wm[0], jnp.int32)
    acc_v = wm[0].astype(jnp.bfloat16).astype(jnp.float32)
    for w in (1, 2):
        pred = wm[w] < acc_v
        sel_v = jnp.where(pred, wm[w], sel_v)
        sel_w = jnp.where(pred, w, sel_w)
        acc_v = jnp.where(pred, wm[w], acc_v).astype(jnp.bfloat16).astype(jnp.float32)

    big = jnp.full((_TR, 128), _K, jnp.int32)
    iacc = [big, big, big]
    sv = sel_v[:, None]
    for t in range(64):
        blk = dist[:, t * 128:(t + 1) * 128]
        cand = jnp.where(blk == sv, lane + (t * 128), _K)
        for w, msk in tile_window(t):
            piece = cand if msk is None else jnp.where(msk, cand, _K)
            iacc[w] = jnp.minimum(iacc[w], piece)
    wi = [jnp.min(a, axis=1) for a in iacc]
    idx = jnp.where(sel_w == 0, wi[0], jnp.where(sel_w == 1, wi[1], wi[2]))
    idx_ref[...] = idx
    loss_ref[0, 0] += jnp.sum(sel_v)


_argmin_call = pl.pallas_call(
    _argmin_body,
    grid=(_NT,),
    in_specs=[
        pl.BlockSpec((_TR, _D), lambda i: (i, 0)),
        pl.BlockSpec((_K, _D), lambda i: (0, 0)),
        pl.BlockSpec((_TR,), lambda i: (i,)),
        pl.BlockSpec((_K,), lambda i: (0,)),
    ],
    out_specs=[
        pl.BlockSpec((_TR,), lambda i: (i,)),
        pl.BlockSpec(memory_space=pltpu.SMEM),
    ],
    out_shape=[
        jax.ShapeDtypeStruct((_N,), jnp.int32),
        jax.ShapeDtypeStruct((1, 1), jnp.float32),
    ],
)


_NC, _NS = 2, 16
_NW = _NC * _NS
_BPW = _N // _NW
_CH = 128
_NCH = _BPW // _CH


@functools.cache
def _sc_gather_call():
    @functools.partial(
        pl.kernel,
        mesh=plsc.VectorSubcoreMesh(core_axis_name="c", subcore_axis_name="s"),
        out_type=jax.ShapeDtypeStruct((_N, _D), jnp.float32),
        scratch_types=[
            pltpu.VMEM((_NCH, _CH), jnp.int32),
            pltpu.VMEM((_CH, _D), jnp.float32),
            pltpu.SemaphoreType.DMA,
        ],
    )
    def _sc_gather(table_hbm, idx_hbm, out_hbm, idx_v, rows_v, sem):
        wid = lax.axis_index("s") * _NC + lax.axis_index("c")
        base = wid * _BPW
        for c in range(_NCH):
            pltpu.sync_copy(idx_hbm.at[pl.ds(base + c * _CH, _CH)], idx_v.at[c])
            pltpu.async_copy(table_hbm.at[idx_v.at[c]], rows_v, sem).wait()
            pltpu.sync_copy(rows_v, out_hbm.at[pl.ds(base + c * _CH, _CH)])

    return _sc_gather


def kernel(z_e, embed_weight):
    flat = z_e.reshape(_N, _D)
    fn = jnp.sum(flat ** 2, axis=1)
    en = jnp.sum(embed_weight ** 2, axis=1)
    idx, loss_sum = _argmin_call(flat, embed_weight.astype(jnp.bfloat16), fn, en)
    quantized = _sc_gather_call()(embed_weight, idx)
    m = loss_sum[0, 0] / (_N * _D)
    loss = m + 0.25 * m
    return quantized.reshape(z_e.shape), loss, idx

# --- scband reference (transcript-rebuilt; emitter-appended) ---
"""Pipeline reference for scband-vector-quantizer-ema-32323923869719 (READ-ONLY COPY).

The authoritative reference and input builder live on the scoring server;
editing this copy changes nothing except your own understanding.
"""

import jax, jax.numpy as jnp
import numpy as np

K = 8192
D = 256
COMMITMENT_COST = 0.25


def setup_inputs(seed: int = 0) -> dict:
    key = jax.random.key(seed)
    k1, k2 = jax.random.split(key)
    z_e = jax.random.normal(k1, (16, 1024, D), dtype=jnp.float32)
    # kaiming-uniform-like init for the codebook
    bound = float(np.sqrt(6.0 / D))
    embed_weight = jax.random.uniform(k2, (K, D), dtype=jnp.float32, minval=-bound, maxval=bound)
    return {"z_e": z_e, "embed_weight": embed_weight}


def reference(z_e, embed_weight):
    flat = z_e.reshape(-1, D)
    flat_norm = jnp.sum(flat ** 2, axis=1, keepdims=True)
    embed_norm = jnp.sum(embed_weight ** 2, axis=1)
    dist = flat_norm + embed_norm - 2.0 * jnp.matmul(flat, embed_weight.T)
    encoding_indices = jnp.argmin(dist, axis=1)
    quantized = jnp.take(embed_weight, encoding_indices, axis=0).reshape(z_e.shape)
    e_latent_loss = jnp.mean((jax.lax.stop_gradient(quantized) - z_e) ** 2)
    q_latent_loss = jnp.mean((quantized - jax.lax.stop_gradient(z_e)) ** 2)
    loss = e_latent_loss + COMMITMENT_COST * q_latent_loss
    quantized_st = z_e + jax.lax.stop_gradient(quantized - z_e)
    return (quantized_st, loss, encoding_indices)

if __name__ == "__main__":
    import jax
    _d = setup_inputs()
    print(jax.jit(kernel)(*tuple(_d.values())))

</pallas_src>

<mosaic_0001>
#map = affine_map<(d0, d1) -> (0, 0)>
#map1 = affine_map<(d0, d1) -> (0)>
module attributes {stable_mosaic.version = 14 : i64} {
  func.func @_sc_gather(%arg0: i32, %arg1: i32, %arg2: memref<8192x256xf32, #tpu.memory_space<hbm>>, %arg3: memref<16384xi32, #tpu.memory_space<hbm>>, %arg4: memref<16384x256xf32, #tpu.memory_space<hbm>>, %arg5: memref<4x128xi32, #tpu.memory_space<vmem>>, %arg6: memref<128x256xf32, #tpu.memory_space<vmem>>, %arg7: memref<!tpu.dma_semaphore, #tpu.memory_space<semaphore_mem>>) attributes {dimension_semantics = [#tpu.dimension_semantics<core_parallel>, #tpu.dimension_semantics<subcore_parallel>], iteration_bounds = array<i64: 2, 16>, scalar_prefetch = 0 : i64, scratch_operands = 3 : i64, tpu.core_type = #tpu.core_type<sc_vector_subcore>, window_params = [{transform_indices = #map}, {transform_indices = #map1}, {transform_indices = #map}]} {
    %mul3A = arith.constant 2 : i32
    %mul3A_0 = arith.muli %arg1, %mul3A : i32
    %add3A = arith.addi %mul3A_0, %arg0 : i32
    %mul3A_1 = arith.constant 512 : i32
    %mul3A_2 = arith.muli %add3A, %mul3A_1 : i32
    %add3A_3 = arith.constant 0 : i32
    %add3A_4 = arith.addi %mul3A_2, %add3A_3 : i32
    %run_scoped3A = arith.constant 0 : i32
    "tpu.region"() ({
      %run_scoped3A_76 = tpu.sem_alloc : memref<!tpu.dma_semaphore, #tpu.memory_space<semaphore_mem>>
      %dma_start3A_77 = arith.constant 0 : i32
      %dma_start3A_78 = tpu.memref_slice %arg5[%run_scoped3A, %dma_start3A_77] : memref<4x128xi32, #tpu.memory_space<vmem>> -> memref<1x128xi32, #tpu.memory_space<vmem>>
      %dma_start3A_79 = tpu.memref_squeeze %dma_start3A_78 : memref<1x128xi32, #tpu.memory_space<vmem>> -> memref<128xi32, #tpu.memory_space<vmem>>
      %dma_start3A_80 = tpu.memref_slice %arg3[%add3A_4] : memref<16384xi32, #tpu.memory_space<hbm>> -> memref<128xi32, #tpu.memory_space<hbm>>
      %dma_start3A_81 = arith.constant 0 : i32
      %dma_start3A_82 = tpu.memref_slice %arg5[%run_scoped3A, %dma_start3A_81] : memref<4x128xi32, #tpu.memory_space<vmem>> -> memref<1x128xi32, #tpu.memory_space<vmem>>
      %dma_start3A_83 = tpu.memref_squeeze %dma_start3A_82 : memref<1x128xi32, #tpu.memory_space<vmem>> -> memref<128xi32, #tpu.memory_space<vmem>>
      %dma_start3A_84 = tpu.memref_slice %arg3[%add3A_4] : memref<16384xi32, #tpu.memory_space<hbm>> -> memref<128xi32, #tpu.memory_space<hbm>>
      tpu.enqueue_dma source(%dma_start3A_84 : memref<128xi32, #tpu.memory_space<hbm>>) target(%dma_start3A_83 : memref<128xi32, #tpu.memory_space<vmem>>) target_semaphore(%run_scoped3A_76 : memref<!tpu.dma_semaphore, #tpu.memory_space<semaphore_mem>>)
      %dma_wait3A_85 = arith.constant 0 : i32
      %dma_wait3A_86 = tpu.memref_slice %arg5[%run_scoped3A, %dma_wait3A_85] : memref<4x128xi32, #tpu.memory_space<vmem>> -> memref<1x128xi32, #tpu.memory_space<vmem>>
      %dma_wait3A_87 = tpu.memref_squeeze %dma_wait3A_86 : memref<1x128xi32, #tpu.memory_space<vmem>> -> memref<128xi32, #tpu.memory_space<vmem>>
      %dma_wait3A_88 = tpu.memref_slice %arg3[%add3A_4] : memref<16384xi32, #tpu.memory_space<hbm>> -> memref<128xi32, #tpu.memory_space<hbm>>
      %dma_wait3A_89 = arith.constant 0 : i32
      %dma_wait3A_90 = tpu.memref_slice %arg5[%run_scoped3A, %dma_wait3A_89] : memref<4x128xi32, #tpu.memory_space<vmem>> -> memref<1x128xi32, #tpu.memory_space<vmem>>
      %dma_wait3A_91 = tpu.memref_squeeze %dma_wait3A_90 : memref<1x128xi32, #tpu.memory_space<vmem>> -> memref<128xi32, #tpu.memory_space<vmem>>
      %dma_wait3A_92 = tpu.memref_slice %arg3[%add3A_4] : memref<16384xi32, #tpu.memory_space<hbm>> -> memref<128xi32, #tpu.memory_space<hbm>>
      tpu.wait_dma2 semaphore(%run_scoped3A_76 : memref<!tpu.dma_semaphore, #tpu.memory_space<semaphore_mem>>) src(%dma_wait3A_92 : memref<128xi32, #tpu.memory_space<hbm>>) dst(%dma_wait3A_91 : memref<128xi32, #tpu.memory_space<vmem>>)
      tpu.yield
    }) : () -> ()
    %dma_start3A = arith.constant 0 : i32
    %dma_start3A_5 = arith.constant 0 : i32
    %dma_start3A_6 = tpu.memref_slice %arg5[%dma_start3A, %dma_start3A_5] : memref<4x128xi32, #tpu.memory_space<vmem>> -> memref<1x128xi32, #tpu.memory_space<vmem>>
    %dma_start3A_7 = tpu.memref_squeeze %dma_start3A_6 : memref<1x128xi32, #tpu.memory_space<vmem>> -> memref<128xi32, #tpu.memory_space<vmem>>
    %dma_start3A_8 = arith.constant 0 : i32
    %dma_start3A_9 = arith.constant 0 : i32
    %dma_start3A_10 = tpu.memref_slice %arg2[%dma_start3A_8, %dma_start3A_9] : memref<8192x256xf32, #tpu.memory_space<hbm>> -> memref<8192x256xf32, #tpu.memory_space<hbm>>
    tpu.enqueue_indirect_dma source(%dma_start3A_10 : memref<8192x256xf32, #tpu.memory_space<hbm>>) target(%arg6 : memref<128x256xf32, #tpu.memory_space<vmem>>) offsets(%dma_start3A_7 : memref<128xi32, #tpu.memory_space<vmem>>) semaphore(%arg7 : memref<!tpu.dma_semaphore, #tpu.memory_space<semaphore_mem>>)
    %dma_wait3A = arith.constant 0 : i32
    %dma_wait3A_11 = arith.constant 0 : i32
    %dma_wait3A_12 = tpu.memref_slice %arg5[%dma_wait3A, %dma_wait3A_11] : memref<4x128xi32, #tpu.memory_space<vmem>> -> memref<1x128xi32, #tpu.memory_space<vmem>>
    %dma_wait3A_13 = tpu.memref_squeeze %dma_wait3A_12 : memref<1x128xi32, #tpu.memory_space<vmem>> -> memref<128xi32, #tpu.memory_space<vmem>>
    %dma_wait3A_14 = arith.constant 0 : i32
    %dma_wait3A_15 = arith.constant 0 : i32
    %dma_wait3A_16 = tpu.memref_slice %arg2[%dma_wait3A_14, %dma_wait3A_15] : memref<8192x256xf32, #tpu.memory_space<hbm>> -> memref<8192x256xf32, #tpu.memory_space<hbm>>
    tpu.wait_indirect_dma semaphore(%arg7 : memref<!tpu.dma_semaphore, #tpu.memory_space<semaphore_mem>>) src(%dma_wait3A_16 : memref<8192x256xf32, #tpu.memory_space<hbm>>) dst(%arg6 : memref<128x256xf32, #tpu.memory_space<vmem>>)
    %add3A_17 = arith.constant 0 : i32
    %add3A_18 = arith.addi %mul3A_2, %add3A_17 : i32
    "tpu.region"() ({
      %run_scoped3A_76 = tpu.sem_alloc : memref<!tpu.dma_semaphore, #tpu.memory_space<semaphore_mem>>
      %dma_start3A_77 = arith.constant 0 : i32
      %dma_start3A_78 = tpu.memref_slice %arg4[%add3A_18, %dma_start3A_77] : memref<16384x256xf32, #tpu.memory_space<hbm>> -> memref<128x256xf32, #tpu.memory_space<hbm>>
      %dma_start3A_79 = arith.constant 0 : i32
      %dma_start3A_80 = tpu.memref_slice %arg4[%add3A_18, %dma_start3A_79] : memref<16384x256xf32, #tpu.memory_space<hbm>> -> memref<128x256xf32, #tpu.memory_space<hbm>>
      tpu.enqueue_dma source(%arg6 : memref<128x256xf32, #tpu.memory_space<vmem>>) target(%dma_start3A_80 : memref<128x256xf32, #tpu.memory_space<hbm>>) target_semaphore(%run_scoped3A_76 : memref<!tpu.dma_semaphore, #tpu.memory_space<semaphore_mem>>)
      %dma_wait3A_81 = arith.constant 0 : i32
      %dma_wait3A_82 = tpu.memref_slice %arg4[%add3A_18, %dma_wait3A_81] : memref<16384x256xf32, #tpu.memory_space<hbm>> -> memref<128x256xf32, #tpu.memory_space<hbm>>
      %dma_wait3A_83 = arith.constant 0 : i32
      %dma_wait3A_84 = tpu.memref_slice %arg4[%add3A_18, %dma_wait3A_83] : memref<16384x256xf32, #tpu.memory_space<hbm>> -> memref<128x256xf32, #tpu.memory_space<hbm>>
      tpu.wait_dma2 semaphore(%run_scoped3A_76 : memref<!tpu.dma_semaphore, #tpu.memory_space<semaphore_mem>>) src(%arg6 : memref<128x256xf32, #tpu.memory_space<vmem>>) dst(%dma_wait3A_84 : memref<128x256xf32, #tpu.memory_space<hbm>>)
      tpu.yield
    }) : () -> ()
    %add3A_19 = arith.constant 128 : i32
    %add3A_20 = arith.addi %mul3A_2, %add3A_19 : i32
    %run_scoped3A_21 = arith.constant 1 : i32
    "tpu.region"() ({
      %run_scoped3A_76 = tpu.sem_alloc : memref<!tpu.dma_semaphore, #tpu.memory_space<semaphore_mem>>
      %dma_start3A_77 = arith.constant 0 : i32
      %dma_start3A_78 = tpu.memref_slice %arg5[%run_scoped3A_21, %dma_start3A_77] : memref<4x128xi32, #tpu.memory_space<vmem>> -> memref<1x128xi32, #tpu.memory_space<vmem>>
      %dma_start3A_79 = tpu.memref_squeeze %dma_start3A_78 : memref<1x128xi32, #tpu.memory_space<vmem>> -> memref<128xi32, #tpu.memory_space<vmem>>
      %dma_start3A_80 = tpu.memref_slice %arg3[%add3A_20] : memref<16384xi32, #tpu.memory_space<hbm>> -> memref<128xi32, #tpu.memory_space<hbm>>
      %dma_start3A_81 = arith.constant 0 : i32
      %dma_start3A_82 = tpu.memref_slice %arg5[%run_scoped3A_21, %dma_start3A_81] : memref<4x128xi32, #tpu.memory_space<vmem>> -> memref<1x128xi32, #tpu.memory_space<vmem>>
      %dma_start3A_83 = tpu.memref_squeeze %dma_start3A_82 : memref<1x128xi32, #tpu.memory_space<vmem>> -> memref<128xi32, #tpu.memory_space<vmem>>
      %dma_start3A_84 = tpu.memref_slice %arg3[%add3A_20] : memref<16384xi32, #tpu.memory_space<hbm>> -> memref<128xi32, #tpu.memory_space<hbm>>
      tpu.enqueue_dma source(%dma_start3A_84 : memref<128xi32, #tpu.memory_space<hbm>>) target(%dma_start3A_83 : memref<128xi32, #tpu.memory_space<vmem>>) target_semaphore(%run_scoped3A_76 : memref<!tpu.dma_semaphore, #tpu.memory_space<semaphore_mem>>)
      %dma_wait3A_85 = arith.constant 0 : i32
      %dma_wait3A_86 = tpu.memref_slice %arg5[%run_scoped3A_21, %dma_wait3A_85] : memref<4x128xi32, #tpu.memory_space<vmem>> -> memref<1x128xi32, #tpu.memory_space<vmem>>
      %dma_wait3A_87 = tpu.memref_squeeze %dma_wait3A_86 : memref<1x128xi32, #tpu.memory_space<vmem>> -> memref<128xi32, #tpu.memory_space<vmem>>
      %dma_wait3A_88 = tpu.memref_slice %arg3[%add3A_20] : memref<16384xi32, #tpu.memory_space<hbm>> -> memref<128xi32, #tpu.memory_space<hbm>>
      %dma_wait3A_89 = arith.constant 0 : i32
      %dma_wait3A_90 = tpu.memref_slice %arg5[%run_scoped3A_21, %dma_wait3A_89] : memref<4x128xi32, #tpu.memory_space<vmem>> -> memref<1x128xi32, #tpu.memory_space<vmem>>
      %dma_wait3A_91 = tpu.memref_squeeze %dma_wait3A_90 : memref<1x128xi32, #tpu.memory_space<vmem>> -> memref<128xi32, #tpu.memory_space<vmem>>
      %dma_wait3A_92 = tpu.memref_slice %arg3[%add3A_20] : memref<16384xi32, #tpu.memory_space<hbm>> -> memref<128xi32, #tpu.memory_space<hbm>>
      tpu.wait_dma2 semaphore(%run_scoped3A_76 : memref<!tpu.dma_semaphore, #tpu.memory_space<semaphore_mem>>) src(%dma_wait3A_92 : memref<128xi32, #tpu.memory_space<hbm>>) dst(%dma_wait3A_91 : memref<128xi32, #tpu.memory_space<vmem>>)
      tpu.yield
    }) : () -> ()
    %dma_start3A_22 = arith.constant 1 : i32
    %dma_start3A_23 = arith.constant 0 : i32
    %dma_start3A_24 = tpu.memref_slice %arg5[%dma_start3A_22, %dma_start3A_23] : memref<4x128xi32, #tpu.memory_space<vmem>> -> memref<1x128xi32, #tpu.memory_space<vmem>>
    %dma_start3A_25 = tpu.memref_squeeze %dma_start3A_24 : memref<1x128xi32, #tpu.memory_space<vmem>> -> memref<128xi32, #tpu.memory_space<vmem>>
    %dma_start3A_26 = arith.constant 0 : i32
    %dma_start3A_27 = arith.constant 0 : i32
    %dma_start3A_28 = tpu.memref_slice %arg2[%dma_start3A_26, %dma_start3A_27] : memref<8192x256xf32, #tpu.memory_space<hbm>> -> memref<8192x256xf32, #tpu.memory_space<hbm>>
    tpu.enqueue_indirect_dma source(%dma_start3A_28 : memref<8192x256xf32, #tpu.memory_space<hbm>>) target(%arg6 : memref<128x256xf32, #tpu.memory_space<vmem>>) offsets(%dma_start3A_25 : memref<128xi32, #tpu.memory_space<vmem>>) semaphore(%arg7 : memref<!tpu.dma_semaphore, #tpu.memory_space<semaphore_mem>>)
    %dma_wait3A_29 = arith.constant 1 : i32
    %dma_wait3A_30 = arith.constant 0 : i32
    %dma_wait3A_31 = tpu.memref_slice %arg5[%dma_wait3A_29, %dma_wait3A_30] : memref<4x128xi32, #tpu.memory_space<vmem>> -> memref<1x128xi32, #tpu.memory_space<vmem>>
    %dma_wait3A_32 = tpu.memref_squeeze %dma_wait3A_31 : memref<1x128xi32, #tpu.memory_space<vmem>> -> memref<128xi32, #tpu.memory_space<vmem>>
    %dma_wait3A_33 = arith.constant 0 : i32
    %dma_wait3A_34 = arith.constant 0 : i32
    %dma_wait3A_35 = tpu.memref_slice %arg2[%dma_wait3A_33, %dma_wait3A_34] : memref<8192x256xf32, #tpu.memory_space<hbm>> -> memref<8192x256xf32, #tpu.memory_space<hbm>>
    tpu.wait_indirect_dma semaphore(%arg7 : memref<!tpu.dma_semaphore, #tpu.memory_space<semaphore_mem>>) src(%dma_wait3A_35 : memref<8192x256xf32, #tpu.memory_space<hbm>>) dst(%arg6 : memref<128x256xf32, #tpu.memory_space<vmem>>)
    %add3A_36 = arith.constant 128 : i32
    %add3A_37 = arith.addi %mul3A_2, %add3A_36 : i32
    "tpu.region"() ({
      %run_scoped3A_76 = tpu.sem_alloc : memref<!tpu.dma_semaphore, #tpu.memory_space<semaphore_mem>>
      %dma_start3A_77 = arith.constant 0 : i32
      %dma_start3A_78 = tpu.memref_slice %arg4[%add3A_37, %dma_start3A_77] : memref<16384x256xf32, #tpu.memory_space<hbm>> -> memref<128x256xf32, #tpu.memory_space<hbm>>
      %dma_start3A_79 = arith.constant 0 : i32
      %dma_start3A_80 = tpu.memref_slice %arg4[%add3A_37, %dma_start3A_79] : memref<16384x256xf32, #tpu.memory_space<hbm>> -> memref<128x256xf32, #tpu.memory_space<hbm>>
      tpu.enqueue_dma source(%arg6 : memref<128x256xf32, #tpu.memory_space<vmem>>) target(%dma_start3A_80 : memref<128x256xf32, #tpu.memory_space<hbm>>) target_semaphore(%run_scoped3A_76 : memref<!tpu.dma_semaphore, #tpu.memory_space<semaphore_mem>>)
      %dma_wait3A_81 = arith.constant 0 : i32
      %dma_wait3A_82 = tpu.memref_slice %arg4[%add3A_37, %dma_wait3A_81] : memref<16384x256xf32, #tpu.memory_space<hbm>> -> memref<128x256xf32, #tpu.memory_space<hbm>>
      %dma_wait3A_83 = arith.constant 0 : i32
      %dma_wait3A_84 = tpu.memref_slice %arg4[%add3A_37, %dma_wait3A_83] : memref<16384x256xf32, #tpu.memory_space<hbm>> -> memref<128x256xf32, #tpu.memory_space<hbm>>
      tpu.wait_dma2 semaphore(%run_scoped3A_76 : memref<!tpu.dma_semaphore, #tpu.memory_space<semaphore_mem>>) src(%arg6 : memref<128x256xf32, #tpu.memory_space<vmem>>) dst(%dma_wait3A_84 : memref<128x256xf32, #tpu.memory_space<hbm>>)
      tpu.yield
    }) : () -> ()
    %add3A_38 = arith.constant 256 : i32
    %add3A_39 = arith.addi %mul3A_2, %add3A_38 : i32
    %run_scoped3A_40 = arith.constant 2 : i32
    "tpu.region"() ({
      %run_scoped3A_76 = tpu.sem_alloc : memref<!tpu.dma_semaphore, #tpu.memory_space<semaphore_mem>>
      %dma_start3A_77 = arith.constant 0 : i32
      %dma_start3A_78 = tpu.memref_slice %arg5[%run_scoped3A_40, %dma_start3A_77] : memref<4x128xi32, #tpu.memory_space<vmem>> -> memref<1x128xi32, #tpu.memory_space<vmem>>
      %dma_start3A_79 = tpu.memref_squeeze %dma_start3A_78 : memref<1x128xi32, #tpu.memory_space<vmem>> -> memref<128xi32, #tpu.memory_space<vmem>>
      %dma_start3A_80 = tpu.memref_slice %arg3[%add3A_39] : memref<16384xi32, #tpu.memory_space<hbm>> -> memref<128xi32, #tpu.memory_space<hbm>>
      %dma_start3A_81 = arith.constant 0 : i32
      %dma_start3A_82 = tpu.memref_slice %arg5[%run_scoped3A_40, %dma_start3A_81] : memref<4x128xi32, #tpu.memory_space<vmem>> -> memref<1x128xi32, #tpu.memory_space<vmem>>
      %dma_start3A_83 = tpu.memref_squeeze %dma_start3A_82 : memref<1x128xi32, #tpu.memory_space<vmem>> -> memref<128xi32, #tpu.memory_space<vmem>>
      %dma_start3A_84 = tpu.memref_slice %arg3[%add3A_39] : memref<16384xi32, #tpu.memory_space<hbm>> -> memref<128xi32, #tpu.memory_space<hbm>>
      tpu.enqueue_dma source(%dma_start3A_84 : memref<128xi32, #tpu.memory_space<hbm>>) target(%dma_start3A_83 : memref<128xi32, #tpu.memory_space<vmem>>) target_semaphore(%run_scoped3A_76 : memref<!tpu.dma_semaphore, #tpu.memory_space<semaphore_mem>>)
      %dma_wait3A_85 = arith.constant 0 : i32
      %dma_wait3A_86 = tpu.memref_slice %arg5[%run_scoped3A_40, %dma_wait3A_85] : memref<4x128xi32, #tpu.memory_space<vmem>> -> memref<1x128xi32, #tpu.memory_space<vmem>>
      %dma_wait3A_87 = tpu.memref_squeeze %dma_wait3A_86 : memref<1x128xi32, #tpu.memory_space<vmem>> -> memref<128xi32, #tpu.memory_space<vmem>>
      %dma_wait3A_88 = tpu.memref_slice %arg3[%add3A_39] : memref<16384xi32, #tpu.memory_space<hbm>> -> memref<128xi32, #tpu.memory_space<hbm>>
      %dma_wait3A_89 = arith.constant 0 : i32
      %dma_wait3A_90 = tpu.memref_slice %arg5[%run_scoped3A_40, %dma_wait3A_89] : memref<4x128xi32, #tpu.memory_space<vmem>> -> memref<1x128xi32, #tpu.memory_space<vmem>>
      %dma_wait3A_91 = tpu.memref_squeeze %dma_wait3A_90 : memref<1x128xi32, #tpu.memory_space<vmem>> -> memref<128xi32, #tpu.memory_space<vmem>>
      %dma_wait3A_92 = tpu.memref_slice %arg3[%add3A_39] : memref<16384xi32, #tpu.memory_space<hbm>> -> memref<128xi32, #tpu.memory_space<hbm>>
      tpu.wait_dma2 semaphore(%run_scoped3A_76 : memref<!tpu.dma_semaphore, #tpu.memory_space<semaphore_mem>>) src(%dma_wait3A_92 : memref<128xi32, #tpu.memory_space<hbm>>) dst(%dma_wait3A_91 : memref<128xi32, #tpu.memory_space<vmem>>)
      tpu.yield
    }) : () -> ()
    %dma_start3A_41 = arith.constant 2 : i32
    %dma_start3A_42 = arith.constant 0 : i32
    %dma_start3A_43 = tpu.memref_slice %arg5[%dma_start3A_41, %dma_start3A_42] : memref<4x128xi32, #tpu.memory_space<vmem>> -> memref<1x128xi32, #tpu.memory_space<vmem>>
    %dma_start3A_44 = tpu.memref_squeeze %dma_start3A_43 : memref<1x128xi32, #tpu.memory_space<vmem>> -> memref<128xi32, #tpu.memory_space<vmem>>
    %dma_start3A_45 = arith.constant 0 : i32
    %dma_start3A_46 = arith.constant 0 : i32
    %dma_start3A_47 = tpu.memref_slice %arg2[%dma_start3A_45, %dma_start3A_46] : memref<8192x256xf32, #tpu.memory_space<hbm>> -> memref<8192x256xf32, #tpu.memory_space<hbm>>
    tpu.enqueue_indirect_dma source(%dma_start3A_47 : memref<8192x256xf32, #tpu.memory_space<hbm>>) target(%arg6 : memref<128x256xf32, #tpu.memory_space<vmem>>) offsets(%dma_start3A_44 : memref<128xi32, #tpu.memory_space<vmem>>) semaphore(%arg7 : memref<!tpu.dma_semaphore, #tpu.memory_space<semaphore_mem>>)
    %dma_wait3A_48 = arith.constant 2 : i32
    %dma_wait3A_49 = arith.constant 0 : i32
    %dma_wait3A_50 = tpu.memref_slice %arg5[%dma_wait3A_48, %dma_wait3A_49] : memref<4x128xi32, #tpu.memory_space<vmem>> -> memref<1x128xi32, #tpu.memory_space<vmem>>
    %dma_wait3A_51 = tpu.memref_squeeze %dma_wait3A_50 : memref<1x128xi32, #tpu.memory_space<vmem>> -> memref<128xi32, #tpu.memory_space<vmem>>
    %dma_wait3A_52 = arith.constant 0 : i32
    %dma_wait3A_53 = arith.constant 0 : i32
    %dma_wait3A_54 = tpu.memref_slice %arg2[%dma_wait3A_52, %dma_wait3A_53] : memref<8192x256xf32, #tpu.memory_space<hbm>> -> memref<8192x256xf32, #tpu.memory_space<hbm>>
    tpu.wait_indirect_dma semaphore(%arg7 : memref<!tpu.dma_semaphore, #tpu.memory_space<semaphore_mem>>) src(%dma_wait3A_54 : memref<8192x256xf32, #tpu.memory_space<hbm>>) dst(%arg6 : memref<128x256xf32, #tpu.memory_space<vmem>>)
    %add3A_55 = arith.constant 256 : i32
    %add3A_56 = arith.addi %mul3A_2, %add3A_55 : i32
    "tpu.region"() ({
      %run_scoped3A_76 = tpu.sem_alloc : memref<!tpu.dma_semaphore, #tpu.memory_space<semaphore_mem>>
      %dma_start3A_77 = arith.constant 0 : i32
      %dma_start3A_78 = tpu.memref_slice %arg4[%add3A_56, %dma_start3A_77] : memref<16384x256xf32, #tpu.memory_space<hbm>> -> memref<128x256xf32, #tpu.memory_space<hbm>>
      %dma_start3A_79 = arith.constant 0 : i32
      %dma_start3A_80 = tpu.memref_slice %arg4[%add3A_56, %dma_start3A_79] : memref<16384x256xf32, #tpu.memory_space<hbm>> -> memref<128x256xf32, #tpu.memory_space<hbm>>
      tpu.enqueue_dma source(%arg6 : memref<128x256xf32, #tpu.memory_space<vmem>>) target(%dma_start3A_80 : memref<128x256xf32, #tpu.memory_space<hbm>>) target_semaphore(%run_scoped3A_76 : memref<!tpu.dma_semaphore, #tpu.memory_space<semaphore_mem>>)
      %dma_wait3A_81 = arith.constant 0 : i32
      %dma_wait3A_82 = tpu.memref_slice %arg4[%add3A_56, %dma_wait3A_81] : memref<16384x256xf32, #tpu.memory_space<hbm>> -> memref<128x256xf32, #tpu.memory_space<hbm>>
      %dma_wait3A_83 = arith.constant 0 : i32
      %dma_wait3A_84 = tpu.memref_slice %arg4[%add3A_56, %dma_wait3A_83] : memref<16384x256xf32, #tpu.memory_space<hbm>> -> memref<128x256xf32, #tpu.memory_space<hbm>>
      tpu.wait_dma2 semaphore(%run_scoped3A_76 : memref<!tpu.dma_semaphore, #tpu.memory_space<semaphore_mem>>) src(%arg6 : memref<128x256xf32, #tpu.memory_space<vmem>>) dst(%dma_wait3A_84 : memref<128x256xf32, #tpu.memory_space<hbm>>)
      tpu.yield
    }) : () -> ()
    %add3A_57 = arith.constant 384 : i32
    %add3A_58 = arith.addi %mul3A_2, %add3A_57 : i32
    %run_scoped3A_59 = arith.constant 3 : i32
    "tpu.region"() ({
      %run_scoped3A_76 = tpu.sem_alloc : memref<!tpu.dma_semaphore, #tpu.memory_space<semaphore_mem>>
      %dma_start3A_77 = arith.constant 0 : i32
      %dma_start3A_78 = tpu.memref_slice %arg5[%run_scoped3A_59, %dma_start3A_77] : memref<4x128xi32, #tpu.memory_space<vmem>> -> memref<1x128xi32, #tpu.memory_space<vmem>>
      %dma_start3A_79 = tpu.memref_squeeze %dma_start3A_78 : memref<1x128xi32, #tpu.memory_space<vmem>> -> memref<128xi32, #tpu.memory_space<vmem>>
      %dma_start3A_80 = tpu.memref_slice %arg3[%add3A_58] : memref<16384xi32, #tpu.memory_space<hbm>> -> memref<128xi32, #tpu.memory_space<hbm>>
      %dma_start3A_81 = arith.constant 0 : i32
      %dma_start3A_82 = tpu.memref_slice %arg5[%run_scoped3A_59, %dma_start3A_81] : memref<4x128xi32, #tpu.memory_space<vmem>> -> memref<1x128xi32, #tpu.memory_space<vmem>>
      %dma_start3A_83 = tpu.memref_squeeze %dma_start3A_82 : memref<1x128xi32, #tpu.memory_space<vmem>> -> memref<128xi32, #tpu.memory_space<vmem>>
      %dma_start3A_84 = tpu.memref_slice %arg3[%add3A_58] : memref<16384xi32, #tpu.memory_space<hbm>> -> memref<128xi32, #tpu.memory_space<hbm>>
      tpu.enqueue_dma source(%dma_start3A_84 : memref<128xi32, #tpu.memory_space<hbm>>) target(%dma_start3A_83 : memref<128xi32, #tpu.memory_space<vmem>>) target_semaphore(%run_scoped3A_76 : memref<!tpu.dma_semaphore, #tpu.memory_space<semaphore_mem>>)
      %dma_wait3A_85 = arith.constant 0 : i32
      %dma_wait3A_86 = tpu.memref_slice %arg5[%run_scoped3A_59, %dma_wait3A_85] : memref<4x128xi32, #tpu.memory_space<vmem>> -> memref<1x128xi32, #tpu.memory_space<vmem>>
      %dma_wait3A_87 = tpu.memref_squeeze %dma_wait3A_86 : memref<1x128xi32, #tpu.memory_space<vmem>> -> memref<128xi32, #tpu.memory_space<vmem>>
      %dma_wait3A_88 = tpu.memref_slice %arg3[%add3A_58] : memref<16384xi32, #tpu.memory_space<hbm>> -> memref<128xi32, #tpu.memory_space<hbm>>
      %dma_wait3A_89 = arith.constant 0 : i32
      %dma_wait3A_90 = tpu.memref_slice %arg5[%run_scoped3A_59, %dma_wait3A_89] : memref<4x128xi32, #tpu.memory_space<vmem>> -> memref<1x128xi32, #tpu.memory_space<vmem>>
      %dma_wait3A_91 = tpu.memref_squeeze %dma_wait3A_90 : memref<1x128xi32, #tpu.memory_space<vmem>> -> memref<128xi32, #tpu.memory_space<vmem>>
      %dma_wait3A_92 = tpu.memref_slice %arg3[%add3A_58] : memref<16384xi32, #tpu.memory_space<hbm>> -> memref<128xi32, #tpu.memory_space<hbm>>
      tpu.wait_dma2 semaphore(%run_scoped3A_76 : memref<!tpu.dma_semaphore, #tpu.memory_space<semaphore_mem>>) src(%dma_wait3A_92 : memref<128xi32, #tpu.memory_space<hbm>>) dst(%dma_wait3A_91 : memref<128xi32, #tpu.memory_space<vmem>>)
      tpu.yield
    }) : () -> ()
    %dma_start3A_60 = arith.constant 3 : i32
    %dma_start3A_61 = arith.constant 0 : i32
    %dma_start3A_62 = tpu.memref_slice %arg5[%dma_start3A_60, %dma_start3A_61] : memref<4x128xi32, #tpu.memory_space<vmem>> -> memref<1x128xi32, #tpu.memory_space<vmem>>
    %dma_start3A_63 = tpu.memref_squeeze %dma_start3A_62 : memref<1x128xi32, #tpu.memory_space<vmem>> -> memref<128xi32, #tpu.memory_space<vmem>>
    %dma_start3A_64 = arith.constant 0 : i32
    %dma_start3A_65 = arith.constant 0 : i32
    %dma_start3A_66 = tpu.memref_slice %arg2[%dma_start3A_64, %dma_start3A_65] : memref<8192x256xf32, #tpu.memory_space<hbm>> -> memref<8192x256xf32, #tpu.memory_space<hbm>>
    tpu.enqueue_indirect_dma source(%dma_start3A_66 : memref<8192x256xf32, #tpu.memory_space<hbm>>) target(%arg6 : memref<128x256xf32, #tpu.memory_space<vmem>>) offsets(%dma_start3A_63 : memref<128xi32, #tpu.memory_space<vmem>>) semaphore(%arg7 : memref<!tpu.dma_semaphore, #tpu.memory_space<semaphore_mem>>)
    %dma_wait3A_67 = arith.constant 3 : i32
    %dma_wait3A_68 = arith.constant 0 : i32
    %dma_wait3A_69 = tpu.memref_slice %arg5[%dma_wait3A_67, %dma_wait3A_68] : memref<4x128xi32, #tpu.memory_space<vmem>> -> memref<1x128xi32, #tpu.memory_space<vmem>>
    %dma_wait3A_70 = tpu.memref_squeeze %dma_wait3A_69 : memref<1x128xi32, #tpu.memory_space<vmem>> -> memref<128xi32, #tpu.memory_space<vmem>>
    %dma_wait3A_71 = arith.constant 0 : i32
    %dma_wait3A_72 = arith.constant 0 : i32
    %dma_wait3A_73 = tpu.memref_slice %arg2[%dma_wait3A_71, %dma_wait3A_72] : memref<8192x256xf32, #tpu.memory_space<hbm>> -> memref<8192x256xf32, #tpu.memory_space<hbm>>
    tpu.wait_indirect_dma semaphore(%arg7 : memref<!tpu.dma_semaphore, #tpu.memory_space<semaphore_mem>>) src(%dma_wait3A_73 : memref<8192x256xf32, #tpu.memory_space<hbm>>) dst(%arg6 : memref<128x256xf32, #tpu.memory_space<vmem>>)
    %add3A_74 = arith.constant 384 : i32
    %add3A_75 = arith.addi %mul3A_2, %add3A_74 : i32
    "tpu.region"() ({
      %run_scoped3A_76 = tpu.sem_alloc : memref<!tpu.dma_semaphore, #tpu.memory_space<semaphore_mem>>
      %dma_start3A_77 = arith.constant 0 : i32
      %dma_start3A_78 = tpu.memref_slice %arg4[%add3A_75, %dma_start3A_77] : memref<16384x256xf32, #tpu.memory_space<hbm>> -> memref<128x256xf32, #tpu.memory_space<hbm>>
      %dma_start3A_79 = arith.constant 0 : i32
      %dma_start3A_80 = tpu.memref_slice %arg4[%add3A_75, %dma_start3A_79] : memref<16384x256xf32, #tpu.memory_space<hbm>> -> memref<128x256xf32, #tpu.memory_space<hbm>>
      tpu.enqueue_dma source(%arg6 : memref<128x256xf32, #tpu.memory_space<vmem>>) target(%dma_start3A_80 : memref<128x256xf32, #tpu.memory_space<hbm>>) target_semaphore(%run_scoped3A_76 : memref<!tpu.dma_semaphore, #tpu.memory_space<semaphore_mem>>)
      %dma_wait3A_81 = arith.constant 0 : i32
      %dma_wait3A_82 = tpu.memref_slice %arg4[%add3A_75, %dma_wait3A_81] : memref<16384x256xf32, #tpu.memory_space<hbm>> -> memref<128x256xf32, #tpu.memory_space<hbm>>
      %dma_wait3A_83 = arith.constant 0 : i32
      %dma_wait3A_84 = tpu.memref_slice %arg4[%add3A_75, %dma_wait3A_83] : memref<16384x256xf32, #tpu.memory_space<hbm>> -> memref<128x256xf32, #tpu.memory_space<hbm>>
      tpu.wait_dma2 semaphore(%run_scoped3A_76 : memref<!tpu.dma_semaphore, #tpu.memory_space<semaphore_mem>>) src(%arg6 : memref<128x256xf32, #tpu.memory_space<vmem>>) dst(%dma_wait3A_84 : memref<128x256xf32, #tpu.memory_space<hbm>>)
      tpu.yield
    }) : () -> ()
    return
  }
}

module attributes {stable_mosaic.version = 14 : i64} {
  func.func @_argmin_body(%arg0: i32, %arg1: memref<256x256xf32, #tpu.memory_space<vmem>>, %arg2: memref<8192x256xbf16, #tpu.memory_space<vmem>>, %arg3: memref<256xf32, #tpu.memory_space<vmem>>, %arg4: memref<8192xf32, #tpu.memory_space<vmem>>, %arg5: memref<256xi32, #tpu.memory_space<vmem>>, %arg6: memref<1x1xf32, #tpu.memory_space<smem>>) attributes {dimension_semantics = [#tpu.dimension_semantics<arbitrary>], iteration_bounds = array<i64: 64>, scalar_prefetch = 0 : i64, scratch_operands = 0 : i64, tpu.core_type = #tpu.core_type<tc>, window_params = [{transform_indices = @transform_0, window_bounds = array<i64: 256, 256>}, {pipeline_mode = #tpu.pipeline_mode<synchronous>, transform_indices = @transform_1, window_bounds = array<i64: 8192, 256>}, {transform_indices = @transform_2, window_bounds = array<i64: 256>}, {pipeline_mode = #tpu.pipeline_mode<synchronous>, transform_indices = @transform_3, window_bounds = array<i64: 8192>}, {transform_indices = @transform_4, window_bounds = array<i64: 256>}, {transform_indices = @transform_5, window_bounds = array<i64: 1, 1>}]} {
    %eq3A = arith.constant 0 : i32
    %eq3A_0 = arith.cmpi eq, %arg0, %eq3A : i32
    %convert_element_type3A = arith.extui %eq3A_0 : i1 to i32
    %cond3A = arith.constant 0 : i32
    %cond3A_1 = arith.cmpi ne, %convert_element_type3A, %cond3A : i32
    scf.if %cond3A_1 {
      %swap3A_885 = arith.constant 0.000000e+00 : f32
      %swap3A_886 = arith.constant 0 : index
      %swap3A_887 = arith.constant 0 : index
      %swap3A_888 = memref.load %arg6[%swap3A_886, %swap3A_887] : memref<1x1xf32, #tpu.memory_space<smem>>
      memref.store %swap3A_885, %arg6[%swap3A_886, %swap3A_887] : memref<1x1xf32, #tpu.memory_space<smem>>
    } else {
    }
    %get3A = arith.constant 0 : index
    %get3A_2 = arith.constant 0 : index
    %get3A_3 = vector.load %arg1[%get3A, %get3A_2] : memref<256x256xf32, #tpu.memory_space<vmem>>, vector<256x256xf32>
    %get3A_4 = arith.constant 0 : index
    %get3A_5 = vector.load %arg3[%get3A_4] : memref<256xf32, #tpu.memory_space<vmem>>, vector<256xf32>
    %broadcast_in_dim3A = vector.shape_cast %get3A_5 : vector<256xf32> to vector<256x1xf32>
    %convert_element_type3A_6 = arith.truncf %get3A_3 : vector<256x256xf32> to vector<256x256xbf16>
    %get3A_7 = arith.constant 0 : index
    %get3A_8 = arith.constant 0 : index
    %get3A_9 = vector.load %arg2[%get3A_7, %get3A_8] : memref<8192x256xbf16, #tpu.memory_space<vmem>>, vector<8192x256xbf16>
    %dot_general3A = arith.constant dense<0.000000e+00> : vector<256x8192xf32>
    %dot_general3A_10 = tpu.matmul %convert_element_type3A_6, %get3A_9, %dot_general3A {dimension_numbers = #tpu.dot_dimension_numbers<[1], [1], [0], [0], [0, 0, 1, 0], [], []>, transpose_lhs_hint = false} : vector<256x256xbf16>, vector<8192x256xbf16>, vector<256x8192xf32> -> vector<256x8192xf32>
    %get3A_11 = arith.constant 0 : index
    %get3A_12 = vector.load %arg4[%get3A_11] : memref<8192xf32, #tpu.memory_space<vmem>>, vector<8192xf32>
    %broadcast_in_dim3A_13 = vector.shape_cast %get3A_12 : vector<8192xf32> to vector<1x8192xf32>
    %add3A = vector.broadcast %broadcast_in_dim3A : vector<256x1xf32> to vector<256x8192xf32>
    %add3A_14 = vector.broadcast %broadcast_in_dim3A_13 : vector<1x8192xf32> to vector<256x8192xf32>
    %add3A_15 = arith.addf %add3A, %add3A_14 : vector<256x8192xf32>
    %mul3A = arith.constant 2.000000e+00 : f32
    %mul3A_16 = vector.broadcast %mul3A : f32 to vector<256x8192xf32>
    %mul3A_17 = arith.mulf %mul3A_16, %dot_general3A_10 : vector<256x8192xf32>
    %sub3A = arith.subf %add3A_15, %mul3A_17 : vector<256x8192xf32>
    %iota3A = tpu.iota {dimensions = array<i32: 1>} : vector<256x128xi32>
    %broadcast_in_dim3A_18 = arith.constant 0x7F800000 : f32
    %broadcast_in_dim3A_19 = vector.broadcast %broadcast_in_dim3A_18 : f32 to vector<256x128xf32>
    %slice3A = vector.extract_strided_slice %sub3A {offsets = [0, 0], sizes = [256, 128], strides = [1, 1]} : vector<256x8192xf32> to vector<256x128xf32>
    %min3A = arith.minimumf %broadcast_in_dim3A_19, %slice3A : vector<256x128xf32>
    %slice3A_20 = vector.extract_strided_slice %sub3A {offsets = [0, 128], sizes = [256, 128], strides = [1, 1]} : vector<256x8192xf32> to vector<256x128xf32>
    %min3A_21 = arith.minimumf %min3A, %slice3A_20 : vector<256x128xf32>
    %slice3A_22 = vector.extract_strided_slice %sub3A {offsets = [0, 256], sizes = [256, 128], strides = [1, 1]} : vector<256x8192xf32> to vector<256x128xf32>
    %min3A_23 = arith.minimumf %min3A_21, %slice3A_22 : vector<256x128xf32>
    %slice3A_24 = vector.extract_strided_slice %sub3A {offsets = [0, 384], sizes = [256, 128], strides = [1, 1]} : vector<256x8192xf32> to vector<256x128xf32>
    %min3A_25 = arith.minimumf %min3A_23, %slice3A_24 : vector<256x128xf32>
    %slice3A_26 = vector.extract_strided_slice %sub3A {offsets = [0, 512], sizes = [256, 128], strides = [1, 1]} : vector<256x8192xf32> to vector<256x128xf32>
    %min3A_27 = arith.minimumf %min3A_25, %slice3A_26 : vector<256x128xf32>
    %slice3A_28 = vector.extract_strided_slice %sub3A {offsets = [0, 640], sizes = [256, 128], strides = [1, 1]} : vector<256x8192xf32> to vector<256x128xf32>
    %min3A_29 = arith.minimumf %min3A_27, %slice3A_28 : vector<256x128xf32>
    %slice3A_30 = vector.extract_strided_slice %sub3A {offsets = [0, 768], sizes = [256, 128], strides = [1, 1]} : vector<256x8192xf32> to vector<256x128xf32>
    %min3A_31 = arith.minimumf %min3A_29, %slice3A_30 : vector<256x128xf32>
    %slice3A_32 = vector.extract_strided_slice %sub3A {offsets = [0, 896], sizes = [256, 128], strides = [1, 1]} : vector<256x8192xf32> to vector<256x128xf32>
    %min3A_33 = arith.minimumf %min3A_31, %slice3A_32 : vector<256x128xf32>
    %slice3A_34 = vector.extract_strided_slice %sub3A {offsets = [0, 1024], sizes = [256, 128], strides = [1, 1]} : vector<256x8192xf32> to vector<256x128xf32>
    %min3A_35 = arith.minimumf %min3A_33, %slice3A_34 : vector<256x128xf32>
    %slice3A_36 = vector.extract_strided_slice %sub3A {offsets = [0, 1152], sizes = [256, 128], strides = [1, 1]} : vector<256x8192xf32> to vector<256x128xf32>
    %min3A_37 = arith.minimumf %min3A_35, %slice3A_36 : vector<256x128xf32>
    %slice3A_38 = vector.extract_strided_slice %sub3A {offsets = [0, 1280], sizes = [256, 128], strides = [1, 1]} : vector<256x8192xf32> to vector<256x128xf32>
    %min3A_39 = arith.minimumf %min3A_37, %slice3A_38 : vector<256x128xf32>
    %slice3A_40 = vector.extract_strided_slice %sub3A {offsets = [0, 1408], sizes = [256, 128], strides = [1, 1]} : vector<256x8192xf32> to vector<256x128xf32>
    %min3A_41 = arith.minimumf %min3A_39, %slice3A_40 : vector<256x128xf32>
    %slice3A_42 = vector.extract_strided_slice %sub3A {offsets = [0, 1536], sizes = [256, 128], strides = [1, 1]} : vector<256x8192xf32> to vector<256x128xf32>
    %min3A_43 = arith.minimumf %min3A_41, %slice3A_42 : vector<256x128xf32>
    %slice3A_44 = vector.extract_strided_slice %sub3A {offsets = [0, 1664], sizes = [256, 128], strides = [1, 1]} : vector<256x8192xf32> to vector<256x128xf32>
    %min3A_45 = arith.minimumf %min3A_43, %slice3A_44 : vector<256x128xf32>
    %slice3A_46 = vector.extract_strided_slice %sub3A {offsets = [0, 1792], sizes = [256, 128], strides = [1, 1]} : vector<256x8192xf32> to vector<256x128xf32>
    %min3A_47 = arith.minimumf %min3A_45, %slice3A_46 : vector<256x128xf32>
    %slice3A_48 = vector.extract_strided_slice %sub3A {offsets = [0, 1920], sizes = [256, 128], strides = [1, 1]} : vector<256x8192xf32> to vector<256x128xf32>
    %min3A_49 = arith.minimumf %min3A_47, %slice3A_48 : vector<256x128xf32>
    %slice3A_50 = vector.extract_strided_slice %sub3A {offsets = [0, 2048], sizes = [256, 128], strides = [1, 1]} : vector<256x8192xf32> to vector<256x128xf32>
    %min3A_51 = arith.minimumf %min3A_49, %slice3A_50 : vector<256x128xf32>
    %slice3A_52 = vector.extract_strided_slice %sub3A {offsets = [0, 2176], sizes = [256, 128], strides = [1, 1]} : vector<256x8192xf32> to vector<256x128xf32>
    %min3A_53 = arith.minimumf %min3A_51, %slice3A_52 : vector<256x128xf32>
    %slice3A_54 = vector.extract_strided_slice %sub3A {offsets = [0, 2304], sizes = [256, 128], strides = [1, 1]} : vector<256x8192xf32> to vector<256x128xf32>
    %min3A_55 = arith.minimumf %min3A_53, %slice3A_54 : vector<256x128xf32>
    %slice3A_56 = vector.extract_strided_slice %sub3A {offsets = [0, 2432], sizes = [256, 128], strides = [1, 1]} : vector<256x8192xf32> to vector<256x128xf32>
    %min3A_57 = arith.minimumf %min3A_55, %slice3A_56 : vector<256x128xf32>
    %slice3A_58 = vector.extract_strided_slice %sub3A {offsets = [0, 2560], sizes = [256, 128], strides = [1, 1]} : vector<256x8192xf32> to vector<256x128xf32>
    %min3A_59 = arith.minimumf %min3A_57, %slice3A_58 : vector<256x128xf32>
    %slice3A_60 = vector.extract_strided_slice %sub3A {offsets = [0, 2688], sizes = [256, 128], strides = [1, 1]} : vector<256x8192xf32> to vector<256x128xf32>
    %lt3A = arith.constant 48 : i32
    %lt3A_61 = vector.broadcast %lt3A : i32 to vector<256x128xi32>
    %lt3A_62 = arith.cmpi slt, %iota3A, %lt3A_61 : vector<256x128xi32>
    %ge3A = arith.constant 48 : i32
    %ge3A_63 = vector.broadcast %ge3A : i32 to vector<256x128xi32>
    %ge3A_64 = arith.cmpi sge, %iota3A, %ge3A_63 : vector<256x128xi32>
    %jit3A = arith.constant 0x7F800000 : f32
    %broadcast_in_dim3A_65 = vector.broadcast %jit3A : f32 to vector<256x128xf32>
    %select_n3A = arith.select %lt3A_62, %slice3A_60, %broadcast_in_dim3A_65 : vector<256x128xi1>, vector<256x128xf32>
    %min3A_66 = arith.minimumf %min3A_59, %select_n3A : vector<256x128xf32>
    %jit3A_67 = arith.constant 0x7F800000 : f32
    %broadcast_in_dim3A_68 = vector.broadcast %jit3A_67 : f32 to vector<256x128xf32>
    %select_n3A_69 = arith.select %ge3A_64, %slice3A_60, %broadcast_in_dim3A_68 : vector<256x128xi1>, vector<256x128xf32>
    %min3A_70 = arith.minimumf %broadcast_in_dim3A_19, %select_n3A_69 : vector<256x128xf32>
    %slice3A_71 = vector.extract_strided_slice %sub3A {offsets = [0, 2816], sizes = [256, 128], strides = [1, 1]} : vector<256x8192xf32> to vector<256x128xf32>
    %min3A_72 = arith.minimumf %min3A_70, %slice3A_71 : vector<256x128xf32>
    %slice3A_73 = vector.extract_strided_slice %sub3A {offsets = [0, 2944], sizes = [256, 128], strides = [1, 1]} : vector<256x8192xf32> to vector<256x128xf32>
    %min3A_74 = arith.minimumf %min3A_72, %slice3A_73 : vector<256x128xf32>
    %slice3A_75 = vector.extract_strided_slice %sub3A {offsets = [0, 3072], sizes = [256, 128], strides = [1, 1]} : vector<256x8192xf32> to vector<256x128xf32>
    %min3A_76 = arith.minimumf %min3A_74, %slice3A_75 : vector<256x128xf32>
    %slice3A_77 = vector.extract_strided_slice %sub3A {offsets = [0, 3200], sizes = [256, 128], strides = [1, 1]} : vector<256x8192xf32> to vector<256x128xf32>
    %min3A_78 = arith.minimumf %min3A_76, %slice3A_77 : vector<256x128xf32>
    %slice3A_79 = vector.extract_strided_slice %sub3A {offsets = [0, 3328], sizes = [256, 128], strides = [1, 1]} : vector<256x8192xf32> to vector<256x128xf32>
    %min3A_80 = arith.minimumf %min3A_78, %slice3A_79 : vector<256x128xf32>
    %slice3A_81 = vector.extract_strided_slice %sub3A {offsets = [0, 3456], sizes = [256, 128], strides = [1, 1]} : vector<256x8192xf32> to vector<256x128xf32>
    %min3A_82 = arith.minimumf %min3A_80, %slice3A_81 : vector<256x128xf32>
    %slice3A_83 = vector.extract_strided_slice %sub3A {offsets = [0, 3584], sizes = [256, 128], strides = [1, 1]} : vector<256x8192xf32> to vector<256x128xf32>
    %min3A_84 = arith.minimumf %min3A_82, %slice3A_83 : vector<256x128xf32>
    %slice3A_85 = vector.extract_strided_slice %sub3A {offsets = [0, 3712], sizes = [256, 128], strides = [1, 1]} : vector<256x8192xf32> to vector<256x128xf32>
    %min3A_86 = arith.minimumf %min3A_84, %slice3A_85 : vector<256x128xf32>
    %slice3A_87 = vector.extract_strided_slice %sub3A {offsets = [0, 3840], sizes = [256, 128], strides = [1, 1]} : vector<256x8192xf32> to vector<256x128xf32>
    %min3A_88 = arith.minimumf %min3A_86, %slice3A_87 : vector<256x128xf32>
    %slice3A_89 = vector.extract_strided_slice %sub3A {offsets = [0, 3968], sizes = [256, 128], strides = [1, 1]} : vector<256x8192xf32> to vector<256x128xf32>
    %min3A_90 = arith.minimumf %min3A_88, %slice3A_89 : vector<256x128xf32>
    %slice3A_91 = vector.extract_strided_slice %sub3A {offsets = [0, 4096], sizes = [256, 128], strides = [1, 1]} : vector<256x8192xf32> to vector<256x128xf32>
    %min3A_92 = arith.minimumf %min3A_90, %slice3A_91 : vector<256x128xf32>
    %slice3A_93 = vector.extract_strided_slice %sub3A {offsets = [0, 4224], sizes = [256, 128], strides = [1, 1]} : vector<256x8192xf32> to vector<256x128xf32>
    %min3A_94 = arith.minimumf %min3A_92, %slice3A_93 : vector<256x128xf32>
    %slice3A_95 = vector.extract_strided_slice %sub3A {offsets = [0, 4352], sizes = [256, 128], strides = [1, 1]} : vector<256x8192xf32> to vector<256x128xf32>
    %min3A_96 = arith.minimumf %min3A_94, %slice3A_95 : vector<256x128xf32>
    %slice3A_97 = vector.extract_strided_slice %sub3A {offsets = [0, 4480], sizes = [256, 128], strides = [1, 1]} : vector<256x8192xf32> to vector<256x128xf32>
    %min3A_98 = arith.minimumf %min3A_96, %slice3A_97 : vector<256x128xf32>
    %slice3A_99 = vector.extract_strided_slice %sub3A {offsets = [0, 4608], sizes = [256, 128], strides = [1, 1]} : vector<256x8192xf32> to vector<256x128xf32>
    %min3A_100 = arith.minimumf %min3A_98, %slice3A_99 : vector<256x128xf32>
    %slice3A_101 = vector.extract_strided_slice %sub3A {offsets = [0, 4736], sizes = [256, 128], strides = [1, 1]} : vector<256x8192xf32> to vector<256x128xf32>
    %min3A_102 = arith.minimumf %min3A_100, %slice3A_101 : vector<256x128xf32>
    %slice3A_103 = vector.extract_strided_slice %sub3A {offsets = [0, 4864], sizes = [256, 128], strides = [1, 1]} : vector<256x8192xf32> to vector<256x128xf32>
    %min3A_104 = arith.minimumf %min3A_102, %slice3A_103 : vector<256x128xf32>
    %slice3A_105 = vector.extract_strided_slice %sub3A {offsets = [0, 4992], sizes = [256, 128], strides = [1, 1]} : vector<256x8192xf32> to vector<256x128xf32>
    %min3A_106 = arith.minimumf %min3A_104, %slice3A_105 : vector<256x128xf32>
    %slice3A_107 = vector.extract_strided_slice %sub3A {offsets = [0, 5120], sizes = [256, 128], strides = [1, 1]} : vector<256x8192xf32> to vector<256x128xf32>
    %min3A_108 = arith.minimumf %min3A_106, %slice3A_107 : vector<256x128xf32>
    %slice3A_109 = vector.extract_strided_slice %sub3A {offsets = [0, 5248], sizes = [256, 128], strides = [1, 1]} : vector<256x8192xf32> to vector<256x128xf32>
    %min3A_110 = arith.minimumf %min3A_108, %slice3A_109 : vector<256x128xf32>
    %slice3A_111 = vector.extract_strided_slice %sub3A {offsets = [0, 5376], sizes = [256, 128], strides = [1, 1]} : vector<256x8192xf32> to vector<256x128xf32>
    %lt3A_112 = arith.constant 96 : i32
    %lt3A_113 = vector.broadcast %lt3A_112 : i32 to vector<256x128xi32>
    %lt3A_114 = arith.cmpi slt, %iota3A, %lt3A_113 : vector<256x128xi32>
    %ge3A_115 = arith.constant 96 : i32
    %ge3A_116 = vector.broadcast %ge3A_115 : i32 to vector<256x128xi32>
    %ge3A_117 = arith.cmpi sge, %iota3A, %ge3A_116 : vector<256x128xi32>
    %jit3A_118 = arith.constant 0x7F800000 : f32
    %broadcast_in_dim3A_119 = vector.broadcast %jit3A_118 : f32 to vector<256x128xf32>
    %select_n3A_120 = arith.select %lt3A_114, %slice3A_111, %broadcast_in_dim3A_119 : vector<256x128xi1>, vector<256x128xf32>
    %min3A_121 = arith.minimumf %min3A_110, %select_n3A_120 : vector<256x128xf32>
    %jit3A_122 = arith.constant 0x7F800000 : f32
    %broadcast_in_dim3A_123 = vector.broadcast %jit3A_122 : f32 to vector<256x128xf32>
    %select_n3A_124 = arith.select %ge3A_117, %slice3A_111, %broadcast_in_dim3A_123 : vector<256x128xi1>, vector<256x128xf32>
    %min3A_125 = arith.minimumf %broadcast_in_dim3A_19, %select_n3A_124 : vector<256x128xf32>
    %slice3A_126 = vector.extract_strided_slice %sub3A {offsets = [0, 5504], sizes = [256, 128], strides = [1, 1]} : vector<256x8192xf32> to vector<256x128xf32>
    %min3A_127 = arith.minimumf %min3A_125, %slice3A_126 : vector<256x128xf32>
    %slice3A_128 = vector.extract_strided_slice %sub3A {offsets = [0, 5632], sizes = [256, 128], strides = [1, 1]} : vector<256x8192xf32> to vector<256x128xf32>
    %min3A_129 = arith.minimumf %min3A_127, %slice3A_128 : vector<256x128xf32>
    %slice3A_130 = vector.extract_strided_slice %sub3A {offsets = [0, 5760], sizes = [256, 128], strides = [1, 1]} : vector<256x8192xf32> to vector<256x128xf32>
    %min3A_131 = arith.minimumf %min3A_129, %slice3A_130 : vector<256x128xf32>
    %slice3A_132 = vector.extract_strided_slice %sub3A {offsets = [0, 5888], sizes = [256, 128], strides = [1, 1]} : vector<256x8192xf32> to vector<256x128xf32>
    %min3A_133 = arith.minimumf %min3A_131, %slice3A_132 : vector<256x128xf32>
    %slice3A_134 = vector.extract_strided_slice %sub3A {offsets = [0, 6016], sizes = [256, 128], strides = [1, 1]} : vector<256x8192xf32> to vector<256x128xf32>
    %min3A_135 = arith.minimumf %min3A_133, %slice3A_134 : vector<256x128xf32>
    %slice3A_136 = vector.extract_strided_slice %sub3A {offsets = [0, 6144], sizes = [256, 128], strides = [1, 1]} : vector<256x8192xf32> to vector<256x128xf32>
    %min3A_137 = arith.minimumf %min3A_135, %slice3A_136 : vector<256x128xf32>
    %slice3A_138 = vector.extract_strided_slice %sub3A {offsets = [0, 6272], sizes = [256, 128], strides = [1, 1]} : vector<256x8192xf32> to vector<256x128xf32>
    %min3A_139 = arith.minimumf %min3A_137, %slice3A_138 : vector<256x128xf32>
    %slice3A_140 = vector.extract_strided_slice %sub3A {offsets = [0, 6400], sizes = [256, 128], strides = [1, 1]} : vector<256x8192xf32> to vector<256x128xf32>
    %min3A_141 = arith.minimumf %min3A_139, %slice3A_140 : vector<256x128xf32>
    %slice3A_142 = vector.extract_strided_slice %sub3A {offsets = [0, 6528], sizes = [256, 128], strides = [1, 1]} : vector<256x8192xf32> to vector<256x128xf32>
    %min3A_143 = arith.minimumf %min3A_141, %slice3A_142 : vector<256x128xf32>
    %slice3A_144 = vector.extract_strided_slice %sub3A {offsets = [0, 6656], sizes = [256, 128], strides = [1, 1]} : vector<256x8192xf32> to vector<256x128xf32>
    %min3A_145 = arith.minimumf %min3A_143, %slice3A_144 : vector<256x128xf32>
    %slice3A_146 = vector.extract_strided_slice %sub3A {offsets = [0, 6784], sizes = [256, 128], strides = [1, 1]} : vector<256x8192xf32> to vector<256x128xf32>
    %min3A_147 = arith.minimumf %min3A_145, %slice3A_146 : vector<256x128xf32>
    %slice3A_148 = vector.extract_strided_slice %sub3A {offsets = [0, 6912], sizes = [256, 128], strides = [1, 1]} : vector<256x8192xf32> to vector<256x128xf32>
    %min3A_149 = arith.minimumf %min3A_147, %slice3A_148 : vector<256x128xf32>
    %slice3A_150 = vector.extract_strided_slice %sub3A {offsets = [0, 7040], sizes = [256, 128], strides = [1, 1]} : vector<256x8192xf32> to vector<256x128xf32>
    %min3A_151 = arith.minimumf %min3A_149, %slice3A_150 : vector<256x128xf32>
    %slice3A_152 = vector.extract_strided_slice %sub3A {offsets = [0, 7168], sizes = [256, 128], strides = [1, 1]} : vector<256x8192xf32> to vector<256x128xf32>
    %min3A_153 = arith.minimumf %min3A_151, %slice3A_152 : vector<256x128xf32>
    %slice3A_154 = vector.extract_strided_slice %sub3A {offsets = [0, 7296], sizes = [256, 128], strides = [1, 1]} : vector<256x8192xf32> to vector<256x128xf32>
    %min3A_155 = arith.minimumf %min3A_153, %slice3A_154 : vector<256x128xf32>
    %slice3A_156 = vector.extract_strided_slice %sub3A {offsets = [0, 7424], sizes = [256, 128], strides = [1, 1]} : vector<256x8192xf32> to vector<256x128xf32>
    %min3A_157 = arith.minimumf %min3A_155, %slice3A_156 : vector<256x128xf32>
    %slice3A_158 = vector.extract_strided_slice %sub3A {offsets = [0, 7552], sizes = [256, 128], strides = [1, 1]} : vector<256x8192xf32> to vector<256x128xf32>
    %min3A_159 = arith.minimumf %min3A_157, %slice3A_158 : vector<256x128xf32>
    %slice3A_160 = vector.extract_strided_slice %sub3A {offsets = [0, 7680], sizes = [256, 128], strides = [1, 1]} : vector<256x8192xf32> to vector<256x128xf32>
    %min3A_161 = arith.minimumf %min3A_159, %slice3A_160 : vector<256x128xf32>
    %slice3A_162 = vector.extract_strided_slice %sub3A {offsets = [0, 7808], sizes = [256, 128], strides = [1, 1]} : vector<256x8192xf32> to vector<256x128xf32>
    %min3A_163 = arith.minimumf %min3A_161, %slice3A_162 : vector<256x128xf32>
    %slice3A_164 = vector.extract_strided_slice %sub3A {offsets = [0, 7936], sizes = [256, 128], strides = [1, 1]} : vector<256x8192xf32> to vector<256x128xf32>
    %min3A_165 = arith.minimumf %min3A_163, %slice3A_164 : vector<256x128xf32>
    %slice3A_166 = vector.extract_strided_slice %sub3A {offsets = [0, 8064], sizes = [256, 128], strides = [1, 1]} : vector<256x8192xf32> to vector<256x128xf32>
    %min3A_167 = arith.minimumf %min3A_165, %slice3A_166 : vector<256x128xf32>
    %reduce_min3A = arith.constant dense<0x7F800000> : vector<256xf32>
    %reduce_min3A_168 = vector.multi_reduction <minimumf>, %min3A_66, %reduce_min3A [1] : vector<256x128xf32> to vector<256xf32>
    %reduce_min3A_169 = arith.constant dense<0x7F800000> : vector<256xf32>
    %reduce_min3A_170 = vector.multi_reduction <minimumf>, %min3A_121, %reduce_min3A_169 [1] : vector<256x128xf32> to vector<256xf32>
    %reduce_min3A_171 = arith.constant dense<0x7F800000> : vector<256xf32>
    %reduce_min3A_172 = vector.multi_reduction <minimumf>, %min3A_167, %reduce_min3A_171 [1] : vector<256x128xf32> to vector<256xf32>
    %broadcast_in_dim3A_173 = arith.constant 0 : i32
    %broadcast_in_dim3A_174 = vector.broadcast %broadcast_in_dim3A_173 : i32 to vector<256xi32>
    %convert_element_type3A_175 = arith.truncf %reduce_min3A_168 : vector<256xf32> to vector<256xbf16>
    %convert_element_type3A_176 = arith.extf %convert_element_type3A_175 : vector<256xbf16> to vector<256xf32>
    %lt3A_177 = arith.cmpf olt, %reduce_min3A_170, %convert_element_type3A_176 : vector<256xf32>
    %select_n3A_178 = arith.select %lt3A_177, %reduce_min3A_170, %reduce_min3A_168 : vector<256xi1>, vector<256xf32>
    %jit3A_179 = arith.constant 1 : i32
    %broadcast_in_dim3A_180 = vector.broadcast %jit3A_179 : i32 to vector<256xi32>
    %select_n3A_181 = arith.select %lt3A_177, %broadcast_in_dim3A_180, %broadcast_in_dim3A_174 : vector<256xi1>, vector<256xi32>
    %select_n3A_182 = arith.select %lt3A_177, %reduce_min3A_170, %convert_element_type3A_176 : vector<256xi1>, vector<256xf32>
    %convert_element_type3A_183 = arith.truncf %select_n3A_182 : vector<256xf32> to vector<256xbf16>
    %convert_element_type3A_184 = arith.extf %convert_element_type3A_183 : vector<256xbf16> to vector<256xf32>
    %lt3A_185 = arith.cmpf olt, %reduce_min3A_172, %convert_element_type3A_184 : vector<256xf32>
    %select_n3A_186 = arith.select %lt3A_185, %reduce_min3A_172, %select_n3A_178 : vector<256xi1>, vector<256xf32>
    %jit3A_187 = arith.constant 2 : i32
    %broadcast_in_dim3A_188 = vector.broadcast %jit3A_187 : i32 to vector<256xi32>
    %select_n3A_189 = arith.select %lt3A_185, %broadcast_in_dim3A_188, %select_n3A_181 : vector<256xi1>, vector<256xi32>
    %broadcast_in_dim3A_190 = arith.constant 8192 : i32
    %broadcast_in_dim3A_191 = vector.broadcast %broadcast_in_dim3A_190 : i32 to vector<256x128xi32>
    %broadcast_in_dim3A_192 = vector.shape_cast %select_n3A_186 : vector<256xf32> to vector<256x1xf32>
    %slice3A_193 = vector.extract_strided_slice %sub3A {offsets = [0, 0], sizes = [256, 128], strides = [1, 1]} : vector<256x8192xf32> to vector<256x128xf32>
    %eq3A_194 = vector.broadcast %broadcast_in_dim3A_192 : vector<256x1xf32> to vector<256x128xf32>
    %eq3A_195 = arith.cmpf oeq, %slice3A_193, %eq3A_194 : vector<256x128xf32>
    %add3A_196 = arith.constant 0 : i32
    %add3A_197 = vector.broadcast %add3A_196 : i32 to vector<256x128xi32>
    %add3A_198 = arith.addi %iota3A, %add3A_197 : vector<256x128xi32>
    %jit3A_199 = arith.constant 8192 : i32
    %broadcast_in_dim3A_200 = vector.broadcast %jit3A_199 : i32 to vector<256x128xi32>
    %select_n3A_201 = arith.select %eq3A_195, %add3A_198, %broadcast_in_dim3A_200 : vector<256x128xi1>, vector<256x128xi32>
    %min3A_202 = arith.minsi %broadcast_in_dim3A_191, %select_n3A_201 : vector<256x128xi32>
    %slice3A_203 = vector.extract_strided_slice %sub3A {offsets = [0, 128], sizes = [256, 128], strides = [1, 1]} : vector<256x8192xf32> to vector<256x128xf32>
    %eq3A_204 = vector.broadcast %broadcast_in_dim3A_192 : vector<256x1xf32> to vector<256x128xf32>
    %eq3A_205 = arith.cmpf oeq, %slice3A_203, %eq3A_204 : vector<256x128xf32>
    %add3A_206 = arith.constant 128 : i32
    %add3A_207 = vector.broadcast %add3A_206 : i32 to vector<256x128xi32>
    %add3A_208 = arith.addi %iota3A, %add3A_207 : vector<256x128xi32>
    %jit3A_209 = arith.constant 8192 : i32
    %broadcast_in_dim3A_210 = vector.broadcast %jit3A_209 : i32 to vector<256x128xi32>
    %select_n3A_211 = arith.select %eq3A_205, %add3A_208, %broadcast_in_dim3A_210 : vector<256x128xi1>, vector<256x128xi32>
    %min3A_212 = arith.minsi %min3A_202, %select_n3A_211 : vector<256x128xi32>
    %slice3A_213 = vector.extract_strided_slice %sub3A {offsets = [0, 256], sizes = [256, 128], strides = [1, 1]} : vector<256x8192xf32> to vector<256x128xf32>
    %eq3A_214 = vector.broadcast %broadcast_in_dim3A_192 : vector<256x1xf32> to vector<256x128xf32>
    %eq3A_215 = arith.cmpf oeq, %slice3A_213, %eq3A_214 : vector<256x128xf32>
    %add3A_216 = arith.constant 256 : i32
    %add3A_217 = vector.broadcast %add3A_216 : i32 to vector<256x128xi32>
    %add3A_218 = arith.addi %iota3A, %add3A_217 : vector<256x128xi32>
    %jit3A_219 = arith.constant 8192 : i32
    %broadcast_in_dim3A_220 = vector.broadcast %jit3A_219 : i32 to vector<256x128xi32>
    %select_n3A_221 = arith.select %eq3A_215, %add3A_218, %broadcast_in_dim3A_220 : vector<256x128xi1>, vector<256x128xi32>
    %min3A_222 = arith.minsi %min3A_212, %select_n3A_221 : vector<256x128xi32>
    %slice3A_223 = vector.extract_strided_slice %sub3A {offsets = [0, 384], sizes = [256, 128], strides = [1, 1]} : vector<256x8192xf32> to vector<256x128xf32>
    %eq3A_224 = vector.broadcast %broadcast_in_dim3A_192 : vector<256x1xf32> to vector<256x128xf32>
    %eq3A_225 = arith.cmpf oeq, %slice3A_223, %eq3A_224 : vector<256x128xf32>
    %add3A_226 = arith.constant 384 : i32
    %add3A_227 = vector.broadcast %add3A_226 : i32 to vector<256x128xi32>
    %add3A_228 = arith.addi %iota3A, %add3A_227 : vector<256x128xi32>
    %jit3A_229 = arith.constant 8192 : i32
    %broadcast_in_dim3A_230 = vector.broadcast %jit3A_229 : i32 to vector<256x128xi32>
    %select_n3A_231 = arith.select %eq3A_225, %add3A_228, %broadcast_in_dim3A_230 : vector<256x128xi1>, vector<256x128xi32>
    %min3A_232 = arith.minsi %min3A_222, %select_n3A_231 : vector<256x128xi32>
    %slice3A_233 = vector.extract_strided_slice %sub3A {offsets = [0, 512], sizes = [256, 128], strides = [1, 1]} : vector<256x8192xf32> to vector<256x128xf32>
    %eq3A_234 = vector.broadcast %broadcast_in_dim3A_192 : vector<256x1xf32> to vector<256x128xf32>
    %eq3A_235 = arith.cmpf oeq, %slice3A_233, %eq3A_234 : vector<256x128xf32>
    %add3A_236 = arith.constant 512 : i32
    %add3A_237 = vector.broadcast %add3A_236 : i32 to vector<256x128xi32>
    %add3A_238 = arith.addi %iota3A, %add3A_237 : vector<256x128xi32>
    %jit3A_239 = arith.constant 8192 : i32
    %broadcast_in_dim3A_240 = vector.broadcast %jit3A_239 : i32 to vector<256x128xi32>
    %select_n3A_241 = arith.select %eq3A_235, %add3A_238, %broadcast_in_dim3A_240 : vector<256x128xi1>, vector<256x128xi32>
    %min3A_242 = arith.minsi %min3A_232, %select_n3A_241 : vector<256x128xi32>
    %slice3A_243 = vector.extract_strided_slice %sub3A {offsets = [0, 640], sizes = [256, 128], strides = [1, 1]} : vector<256x8192xf32> to vector<256x128xf32>
    %eq3A_244 = vector.broadcast %broadcast_in_dim3A_192 : vector<256x1xf32> to vector<256x128xf32>
    %eq3A_245 = arith.cmpf oeq, %slice3A_243, %eq3A_244 : vector<256x128xf32>
    %add3A_246 = arith.constant 640 : i32
    %add3A_247 = vector.broadcast %add3A_246 : i32 to vector<256x128xi32>
    %add3A_248 = arith.addi %iota3A, %add3A_247 : vector<256x128xi32>
    %jit3A_249 = arith.constant 8192 : i32
    %broadcast_in_dim3A_250 = vector.broadcast %jit3A_249 : i32 to vector<256x128xi32>
    %select_n3A_251 = arith.select %eq3A_245, %add3A_248, %broadcast_in_dim3A_250 : vector<256x128xi1>, vector<256x128xi32>
    %min3A_252 = arith.minsi %min3A_242, %select_n3A_251 : vector<256x128xi32>
    %slice3A_253 = vector.extract_strided_slice %sub3A {offsets = [0, 768], sizes = [256, 128], strides = [1, 1]} : vector<256x8192xf32> to vector<256x128xf32>
    %eq3A_254 = vector.broadcast %broadcast_in_dim3A_192 : vector<256x1xf32> to vector<256x128xf32>
    %eq3A_255 = arith.cmpf oeq, %slice3A_253, %eq3A_254 : vector<256x128xf32>
    %add3A_256 = arith.constant 768 : i32
    %add3A_257 = vector.broadcast %add3A_256 : i32 to vector<256x128xi32>
    %add3A_258 = arith.addi %iota3A, %add3A_257 : vector<256x128xi32>
    %jit3A_259 = arith.constant 8192 : i32
    %broadcast_in_dim3A_260 = vector.broadcast %jit3A_259 : i32 to vector<256x128xi32>
    %select_n3A_261 = arith.select %eq3A_255, %add3A_258, %broadcast_in_dim3A_260 : vector<256x128xi1>, vector<256x128xi32>
    %min3A_262 = arith.minsi %min3A_252, %select_n3A_261 : vector<256x128xi32>
    %slice3A_263 = vector.extract_strided_slice %sub3A {offsets = [0, 896], sizes = [256, 128], strides = [1, 1]} : vector<256x8192xf32> to vector<256x128xf32>
    %eq3A_264 = vector.broadcast %broadcast_in_dim3A_192 : vector<256x1xf32> to vector<256x128xf32>
    %eq3A_265 = arith.cmpf oeq, %slice3A_263, %eq3A_264 : vector<256x128xf32>
    %add3A_266 = arith.constant 896 : i32
    %add3A_267 = vector.broadcast %add3A_266 : i32 to vector<256x128xi32>
    %add3A_268 = arith.addi %iota3A, %add3A_267 : vector<256x128xi32>
    %jit3A_269 = arith.constant 8192 : i32
    %broadcast_in_dim3A_270 = vector.broadcast %jit3A_269 : i32 to vector<256x128xi32>
    %select_n3A_271 = arith.select %eq3A_265, %add3A_268, %broadcast_in_dim3A_270 : vector<256x128xi1>, vector<256x128xi32>
    %min3A_272 = arith.minsi %min3A_262, %select_n3A_271 : vector<256x128xi32>
    %slice3A_273 = vector.extract_strided_slice %sub3A {offsets = [0, 1024], sizes = [256, 128], strides = [1, 1]} : vector<256x8192xf32> to vector<256x128xf32>
    %eq3A_274 = vector.broadcast %broadcast_in_dim3A_192 : vector<256x1xf32> to vector<256x128xf32>
    %eq3A_275 = arith.cmpf oeq, %slice3A_273, %eq3A_274 : vector<256x128xf32>
    %add3A_276 = arith.constant 1024 : i32
    %add3A_277 = vector.broadcast %add3A_276 : i32 to vector<256x128xi32>
    %add3A_278 = arith.addi %iota3A, %add3A_277 : vector<256x128xi32>
    %jit3A_279 = arith.constant 8192 : i32
    %broadcast_in_dim3A_280 = vector.broadcast %jit3A_279 : i32 to vector<256x128xi32>
    %select_n3A_281 = arith.select %eq3A_275, %add3A_278, %broadcast_in_dim3A_280 : vector<256x128xi1>, vector<256x128xi32>
    %min3A_282 = arith.minsi %min3A_272, %select_n3A_281 : vector<256x128xi32>
    %slice3A_283 = vector.extract_strided_slice %sub3A {offsets = [0, 1152], sizes = [256, 128], strides = [1, 1]} : vector<256x8192xf32> to vector<256x128xf32>
    %eq3A_284 = vector.broadcast %broadcast_in_dim3A_192 : vector<256x1xf32> to vector<256x128xf32>
    %eq3A_285 = arith.cmpf oeq, %slice3A_283, %eq3A_284 : vector<256x128xf32>
    %add3A_286 = arith.constant 1152 : i32
    %add3A_287 = vector.broadcast %add3A_286 : i32 to vector<256x128xi32>
    %add3A_288 = arith.addi %iota3A, %add3A_287 : vector<256x128xi32>
    %jit3A_289 = arith.constant 8192 : i32
    %broadcast_in_dim3A_290 = vector.broadcast %jit3A_289 : i32 to vector<256x128xi32>
    %select_n3A_291 = arith.select %eq3A_285, %add3A_288, %broadcast_in_dim3A_290 : vector<256x128xi1>, vector<256x128xi32>
    %min3A_292 = arith.minsi %min3A_282, %select_n3A_291 : vector<256x128xi32>
    %slice3A_293 = vector.extract_strided_slice %sub3A {offsets = [0, 1280], sizes = [256, 128], strides = [1, 1]} : vector<256x8192xf32> to vector<256x128xf32>
    %eq3A_294 = vector.broadcast %broadcast_in_dim3A_192 : vector<256x1xf32> to vector<256x128xf32>
    %eq3A_295 = arith.cmpf oeq, %slice3A_293, %eq3A_294 : vector<256x128xf32>
    %add3A_296 = arith.constant 1280 : i32
    %add3A_297 = vector.broadcast %add3A_296 : i32 to vector<256x128xi32>
    %add3A_298 = arith.addi %iota3A, %add3A_297 : vector<256x128xi32>
    %jit3A_299 = arith.constant 8192 : i32
    %broadcast_in_dim3A_300 = vector.broadcast %jit3A_299 : i32 to vector<256x128xi32>
    %select_n3A_301 = arith.select %eq3A_295, %add3A_298, %broadcast_in_dim3A_300 : vector<256x128xi1>, vector<256x128xi32>
    %min3A_302 = arith.minsi %min3A_292, %select_n3A_301 : vector<256x128xi32>
    %slice3A_303 = vector.extract_strided_slice %sub3A {offsets = [0, 1408], sizes = [256, 128], strides = [1, 1]} : vector<256x8192xf32> to vector<256x128xf32>
    %eq3A_304 = vector.broadcast %broadcast_in_dim3A_192 : vector<256x1xf32> to vector<256x128xf32>
    %eq3A_305 = arith.cmpf oeq, %slice3A_303, %eq3A_304 : vector<256x128xf32>
    %add3A_306 = arith.constant 1408 : i32
    %add3A_307 = vector.broadcast %add3A_306 : i32 to vector<256x128xi32>
    %add3A_308 = arith.addi %iota3A, %add3A_307 : vector<256x128xi32>
    %jit3A_309 = arith.constant 8192 : i32
    %broadcast_in_dim3A_310 = vector.broadcast %jit3A_309 : i32 to vector<256x128xi32>
    %select_n3A_311 = arith.select %eq3A_305, %add3A_308, %broadcast_in_dim3A_310 : vector<256x128xi1>, vector<256x128xi32>
    %min3A_312 = arith.minsi %min3A_302, %select_n3A_311 : vector<256x128xi32>
    %slice3A_313 = vector.extract_strided_slice %sub3A {offsets = [0, 1536], sizes = [256, 128], strides = [1, 1]} : vector<256x8192xf32> to vector<256x128xf32>
    %eq3A_314 = vector.broadcast %broadcast_in_dim3A_192 : vector<256x1xf32> to vector<256x128xf32>
    %eq3A_315 = arith.cmpf oeq, %slice3A_313, %eq3A_314 : vector<256x128xf32>
    %add3A_316 = arith.constant 1536 : i32
    %add3A_317 = vector.broadcast %add3A_316 : i32 to vector<256x128xi32>
    %add3A_318 = arith.addi %iota3A, %add3A_317 : vector<256x128xi32>
    %jit3A_319 = arith.constant 8192 : i32
    %broadcast_in_dim3A_320 = vector.broadcast %jit3A_319 : i32 to vector<256x128xi32>
    %select_n3A_321 = arith.select %eq3A_315, %add3A_318, %broadcast_in_dim3A_320 : vector<256x128xi1>, vector<256x128xi32>
    %min3A_322 = arith.minsi %min3A_312, %select_n3A_321 : vector<256x128xi32>
    %slice3A_323 = vector.extract_strided_slice %sub3A {offsets = [0, 1664], sizes = [256, 128], strides = [1, 1]} : vector<256x8192xf32> to vector<256x128xf32>
    %eq3A_324 = vector.broadcast %broadcast_in_dim3A_192 : vector<256x1xf32> to vector<256x128xf32>
    %eq3A_325 = arith.cmpf oeq, %slice3A_323, %eq3A_324 : vector<256x128xf32>
    %add3A_326 = arith.constant 1664 : i32
    %add3A_327 = vector.broadcast %add3A_326 : i32 to vector<256x128xi32>
    %add3A_328 = arith.addi %iota3A, %add3A_327 : vector<256x128xi32>
    %jit3A_329 = arith.constant 8192 : i32
    %broadcast_in_dim3A_330 = vector.broadcast %jit3A_329 : i32 to vector<256x128xi32>
    %select_n3A_331 = arith.select %eq3A_325, %add3A_328, %broadcast_in_dim3A_330 : vector<256x128xi1>, vector<256x128xi32>
    %min3A_332 = arith.minsi %min3A_322, %select_n3A_331 : vector<256x128xi32>
    %slice3A_333 = vector.extract_strided_slice %sub3A {offsets = [0, 1792], sizes = [256, 128], strides = [1, 1]} : vector<256x8192xf32> to vector<256x128xf32>
    %eq3A_334 = vector.broadcast %broadcast_in_dim3A_192 : vector<256x1xf32> to vector<256x128xf32>
    %eq3A_335 = arith.cmpf oeq, %slice3A_333, %eq3A_334 : vector<256x128xf32>
    %add3A_336 = arith.constant 1792 : i32
    %add3A_337 = vector.broadcast %add3A_336 : i32 to vector<256x128xi32>
    %add3A_338 = arith.addi %iota3A, %add3A_337 : vector<256x128xi32>
    %jit3A_339 = arith.constant 8192 : i32
    %broadcast_in_dim3A_340 = vector.broadcast %jit3A_339 : i32 to vector<256x128xi32>
    %select_n3A_341 = arith.select %eq3A_335, %add3A_338, %broadcast_in_dim3A_340 : vector<256x128xi1>, vector<256x128xi32>
    %min3A_342 = arith.minsi %min3A_332, %select_n3A_341 : vector<256x128xi32>
    %slice3A_343 = vector.extract_strided_slice %sub3A {offsets = [0, 1920], sizes = [256, 128], strides = [1, 1]} : vector<256x8192xf32> to vector<256x128xf32>
    %eq3A_344 = vector.broadcast %broadcast_in_dim3A_192 : vector<256x1xf32> to vector<256x128xf32>
    %eq3A_345 = arith.cmpf oeq, %slice3A_343, %eq3A_344 : vector<256x128xf32>
    %add3A_346 = arith.constant 1920 : i32
    %add3A_347 = vector.broadcast %add3A_346 : i32 to vector<256x128xi32>
    %add3A_348 = arith.addi %iota3A, %add3A_347 : vector<256x128xi32>
    %jit3A_349 = arith.constant 8192 : i32
    %broadcast_in_dim3A_350 = vector.broadcast %jit3A_349 : i32 to vector<256x128xi32>
    %select_n3A_351 = arith.select %eq3A_345, %add3A_348, %broadcast_in_dim3A_350 : vector<256x128xi1>, vector<256x128xi32>
    %min3A_352 = arith.minsi %min3A_342, %select_n3A_351 : vector<256x128xi32>
    %slice3A_353 = vector.extract_strided_slice %sub3A {offsets = [0, 2048], sizes = [256, 128], strides = [1, 1]} : vector<256x8192xf32> to vector<256x128xf32>
    %eq3A_354 = vector.broadcast %broadcast_in_dim3A_192 : vector<256x1xf32> to vector<256x128xf32>
    %eq3A_355 = arith.cmpf oeq, %slice3A_353, %eq3A_354 : vector<256x128xf32>
    %add3A_356 = arith.constant 2048 : i32
    %add3A_357 = vector.broadcast %add3A_356 : i32 to vector<256x128xi32>
    %add3A_358 = arith.addi %iota3A, %add3A_357 : vector<256x128xi32>
    %jit3A_359 = arith.constant 8192 : i32
    %broadcast_in_dim3A_360 = vector.broadcast %jit3A_359 : i32 to vector<256x128xi32>
    %select_n3A_361 = arith.select %eq3A_355, %add3A_358, %broadcast_in_dim3A_360 : vector<256x128xi1>, vector<256x128xi32>
    %min3A_362 = arith.minsi %min3A_352, %select_n3A_361 : vector<256x128xi32>
    %slice3A_363 = vector.extract_strided_slice %sub3A {offsets = [0, 2176], sizes = [256, 128], strides = [1, 1]} : vector<256x8192xf32> to vector<256x128xf32>
    %eq3A_364 = vector.broadcast %broadcast_in_dim3A_192 : vector<256x1xf32> to vector<256x128xf32>
    %eq3A_365 = arith.cmpf oeq, %slice3A_363, %eq3A_364 : vector<256x128xf32>
    %add3A_366 = arith.constant 2176 : i32
    %add3A_367 = vector.broadcast %add3A_366 : i32 to vector<256x128xi32>
    %add3A_368 = arith.addi %iota3A, %add3A_367 : vector<256x128xi32>
    %jit3A_369 = arith.constant 8192 : i32
    %broadcast_in_dim3A_370 = vector.broadcast %jit3A_369 : i32 to vector<256x128xi32>
    %select_n3A_371 = arith.select %eq3A_365, %add3A_368, %broadcast_in_dim3A_370 : vector<256x128xi1>, vector<256x128xi32>
    %min3A_372 = arith.minsi %min3A_362, %select_n3A_371 : vector<256x128xi32>
    %slice3A_373 = vector.extract_strided_slice %sub3A {offsets = [0, 2304], sizes = [256, 128], strides = [1, 1]} : vector<256x8192xf32> to vector<256x128xf32>
    %eq3A_374 = vector.broadcast %broadcast_in_dim3A_192 : vector<256x1xf32> to vector<256x128xf32>
    %eq3A_375 = arith.cmpf oeq, %slice3A_373, %eq3A_374 : vector<256x128xf32>
    %add3A_376 = arith.constant 2304 : i32
    %add3A_377 = vector.broadcast %add3A_376 : i32 to vector<256x128xi32>
    %add3A_378 = arith.addi %iota3A, %add3A_377 : vector<256x128xi32>
    %jit3A_379 = arith.constant 8192 : i32
    %broadcast_in_dim3A_380 = vector.broadcast %jit3A_379 : i32 to vector<256x128xi32>
    %select_n3A_381 = arith.select %eq3A_375, %add3A_378, %broadcast_in_dim3A_380 : vector<256x128xi1>, vector<256x128xi32>
    %min3A_382 = arith.minsi %min3A_372, %select_n3A_381 : vector<256x128xi32>
    %slice3A_383 = vector.extract_strided_slice %sub3A {offsets = [0, 2432], sizes = [256, 128], strides = [1, 1]} : vector<256x8192xf32> to vector<256x128xf32>
    %eq3A_384 = vector.broadcast %broadcast_in_dim3A_192 : vector<256x1xf32> to vector<256x128xf32>
    %eq3A_385 = arith.cmpf oeq, %slice3A_383, %eq3A_384 : vector<256x128xf32>
    %add3A_386 = arith.constant 2432 : i32
    %add3A_387 = vector.broadcast %add3A_386 : i32 to vector<256x128xi32>
    %add3A_388 = arith.addi %iota3A, %add3A_387 : vector<256x128xi32>
    %jit3A_389 = arith.constant 8192 : i32
    %broadcast_in_dim3A_390 = vector.broadcast %jit3A_389 : i32 to vector<256x128xi32>
    %select_n3A_391 = arith.select %eq3A_385, %add3A_388, %broadcast_in_dim3A_390 : vector<256x128xi1>, vector<256x128xi32>
    %min3A_392 = arith.minsi %min3A_382, %select_n3A_391 : vector<256x128xi32>
    %slice3A_393 = vector.extract_strided_slice %sub3A {offsets = [0, 2560], sizes = [256, 128], strides = [1, 1]} : vector<256x8192xf32> to vector<256x128xf32>
    %eq3A_394 = vector.broadcast %broadcast_in_dim3A_192 : vector<256x1xf32> to vector<256x128xf32>
    %eq3A_395 = arith.cmpf oeq, %slice3A_393, %eq3A_394 : vector<256x128xf32>
    %add3A_396 = arith.constant 2560 : i32
    %add3A_397 = vector.broadcast %add3A_396 : i32 to vector<256x128xi32>
    %add3A_398 = arith.addi %iota3A, %add3A_397 : vector<256x128xi32>
    %jit3A_399 = arith.constant 8192 : i32
    %broadcast_in_dim3A_400 = vector.broadcast %jit3A_399 : i32 to vector<256x128xi32>
    %select_n3A_401 = arith.select %eq3A_395, %add3A_398, %broadcast_in_dim3A_400 : vector<256x128xi1>, vector<256x128xi32>
    %min3A_402 = arith.minsi %min3A_392, %select_n3A_401 : vector<256x128xi32>
    %slice3A_403 = vector.extract_strided_slice %sub3A {offsets = [0, 2688], sizes = [256, 128], strides = [1, 1]} : vector<256x8192xf32> to vector<256x128xf32>
    %eq3A_404 = vector.broadcast %broadcast_in_dim3A_192 : vector<256x1xf32> to vector<256x128xf32>
    %eq3A_405 = arith.cmpf oeq, %slice3A_403, %eq3A_404 : vector<256x128xf32>
    %add3A_406 = arith.constant 2688 : i32
    %add3A_407 = vector.broadcast %add3A_406 : i32 to vector<256x128xi32>
    %add3A_408 = arith.addi %iota3A, %add3A_407 : vector<256x128xi32>
    %jit3A_409 = arith.constant 8192 : i32
    %broadcast_in_dim3A_410 = vector.broadcast %jit3A_409 : i32 to vector<256x128xi32>
    %select_n3A_411 = arith.select %eq3A_405, %add3A_408, %broadcast_in_dim3A_410 : vector<256x128xi1>, vector<256x128xi32>
    %lt3A_412 = arith.constant 48 : i32
    %lt3A_413 = vector.broadcast %lt3A_412 : i32 to vector<256x128xi32>
    %lt3A_414 = arith.cmpi slt, %iota3A, %lt3A_413 : vector<256x128xi32>
    %ge3A_415 = arith.constant 48 : i32
    %ge3A_416 = vector.broadcast %ge3A_415 : i32 to vector<256x128xi32>
    %ge3A_417 = arith.cmpi sge, %iota3A, %ge3A_416 : vector<256x128xi32>
    %jit3A_418 = arith.constant 8192 : i32
    %broadcast_in_dim3A_419 = vector.broadcast %jit3A_418 : i32 to vector<256x128xi32>
    %select_n3A_420 = arith.select %lt3A_414, %select_n3A_411, %broadcast_in_dim3A_419 : vector<256x128xi1>, vector<256x128xi32>
    %min3A_421 = arith.minsi %min3A_402, %select_n3A_420 : vector<256x128xi32>
    %jit3A_422 = arith.constant 8192 : i32
    %broadcast_in_dim3A_423 = vector.broadcast %jit3A_422 : i32 to vector<256x128xi32>
    %select_n3A_424 = arith.select %ge3A_417, %select_n3A_411, %broadcast_in_dim3A_423 : vector<256x128xi1>, vector<256x128xi32>
    %min3A_425 = arith.minsi %broadcast_in_dim3A_191, %select_n3A_424 : vector<256x128xi32>
    %slice3A_426 = vector.extract_strided_slice %sub3A {offsets = [0, 2816], sizes = [256, 128], strides = [1, 1]} : vector<256x8192xf32> to vector<256x128xf32>
    %eq3A_427 = vector.broadcast %broadcast_in_dim3A_192 : vector<256x1xf32> to vector<256x128xf32>
    %eq3A_428 = arith.cmpf oeq, %slice3A_426, %eq3A_427 : vector<256x128xf32>
    %add3A_429 = arith.constant 2816 : i32
    %add3A_430 = vector.broadcast %add3A_429 : i32 to vector<256x128xi32>
    %add3A_431 = arith.addi %iota3A, %add3A_430 : vector<256x128xi32>
    %jit3A_432 = arith.constant 8192 : i32
    %broadcast_in_dim3A_433 = vector.broadcast %jit3A_432 : i32 to vector<256x128xi32>
    %select_n3A_434 = arith.select %eq3A_428, %add3A_431, %broadcast_in_dim3A_433 : vector<256x128xi1>, vector<256x128xi32>
    %min3A_435 = arith.minsi %min3A_425, %select_n3A_434 : vector<256x128xi32>
    %slice3A_436 = vector.extract_strided_slice %sub3A {offsets = [0, 2944], sizes = [256, 128], strides = [1, 1]} : vector<256x8192xf32> to vector<256x128xf32>
    %eq3A_437 = vector.broadcast %broadcast_in_dim3A_192 : vector<256x1xf32> to vector<256x128xf32>
    %eq3A_438 = arith.cmpf oeq, %slice3A_436, %eq3A_437 : vector<256x128xf32>
    %add3A_439 = arith.constant 2944 : i32
    %add3A_440 = vector.broadcast %add3A_439 : i32 to vector<256x128xi32>
    %add3A_441 = arith.addi %iota3A, %add3A_440 : vector<256x128xi32>
    %jit3A_442 = arith.constant 8192 : i32
    %broadcast_in_dim3A_443 = vector.broadcast %jit3A_442 : i32 to vector<256x128xi32>
    %select_n3A_444 = arith.select %eq3A_438, %add3A_441, %broadcast_in_dim3A_443 : vector<256x128xi1>, vector<256x128xi32>
    %min3A_445 = arith.minsi %min3A_435, %select_n3A_444 : vector<256x128xi32>
    %slice3A_446 = vector.extract_strided_slice %sub3A {offsets = [0, 3072], sizes = [256, 128], strides = [1, 1]} : vector<256x8192xf32> to vector<256x128xf32>
    %eq3A_447 = vector.broadcast %broadcast_in_dim3A_192 : vector<256x1xf32> to vector<256x128xf32>
    %eq3A_448 = arith.cmpf oeq, %slice3A_446, %eq3A_447 : vector<256x128xf32>
    %add3A_449 = arith.constant 3072 : i32
    %add3A_450 = vector.broadcast %add3A_449 : i32 to vector<256x128xi32>
    %add3A_451 = arith.addi %iota3A, %add3A_450 : vector<256x128xi32>
    %jit3A_452 = arith.constant 8192 : i32
    %broadcast_in_dim3A_453 = vector.broadcast %jit3A_452 : i32 to vector<256x128xi32>
    %select_n3A_454 = arith.select %eq3A_448, %add3A_451, %broadcast_in_dim3A_453 : vector<256x128xi1>, vector<256x128xi32>
    %min3A_455 = arith.minsi %min3A_445, %select_n3A_454 : vector<256x128xi32>
    %slice3A_456 = vector.extract_strided_slice %sub3A {offsets = [0, 3200], sizes = [256, 128], strides = [1, 1]} : vector<256x8192xf32> to vector<256x128xf32>
    %eq3A_457 = vector.broadcast %broadcast_in_dim3A_192 : vector<256x1xf32> to vector<256x128xf32>
    %eq3A_458 = arith.cmpf oeq, %slice3A_456, %eq3A_457 : vector<256x128xf32>
    %add3A_459 = arith.constant 3200 : i32
    %add3A_460 = vector.broadcast %add3A_459 : i32 to vector<256x128xi32>
    %add3A_461 = arith.addi %iota3A, %add3A_460 : vector<256x128xi32>
    %jit3A_462 = arith.constant 8192 : i32
    %broadcast_in_dim3A_463 = vector.broadcast %jit3A_462 : i32 to vector<256x128xi32>
    %select_n3A_464 = arith.select %eq3A_458, %add3A_461, %broadcast_in_dim3A_463 : vector<256x128xi1>, vector<256x128xi32>
    %min3A_465 = arith.minsi %min3A_455, %select_n3A_464 : vector<256x128xi32>
    %slice3A_466 = vector.extract_strided_slice %sub3A {offsets = [0, 3328], sizes = [256, 128], strides = [1, 1]} : vector<256x8192xf32> to vector<256x128xf32>
    %eq3A_467 = vector.broadcast %broadcast_in_dim3A_192 : vector<256x1xf32> to vector<256x128xf32>
    %eq3A_468 = arith.cmpf oeq, %slice3A_466, %eq3A_467 : vector<256x128xf32>
    %add3A_469 = arith.constant 3328 : i32
    %add3A_470 = vector.broadcast %add3A_469 : i32 to vector<256x128xi32>
    %add3A_471 = arith.addi %iota3A, %add3A_470 : vector<256x128xi32>
    %jit3A_472 = arith.constant 8192 : i32
    %broadcast_in_dim3A_473 = vector.broadcast %jit3A_472 : i32 to vector<256x128xi32>
    %select_n3A_474 = arith.select %eq3A_468, %add3A_471, %broadcast_in_dim3A_473 : vector<256x128xi1>, vector<256x128xi32>
    %min3A_475 = arith.minsi %min3A_465, %select_n3A_474 : vector<256x128xi32>
    %slice3A_476 = vector.extract_strided_slice %sub3A {offsets = [0, 3456], sizes = [256, 128], strides = [1, 1]} : vector<256x8192xf32> to vector<256x128xf32>
    %eq3A_477 = vector.broadcast %broadcast_in_dim3A_192 : vector<256x1xf32> to vector<256x128xf32>
    %eq3A_478 = arith.cmpf oeq, %slice3A_476, %eq3A_477 : vector<256x128xf32>
    %add3A_479 = arith.constant 3456 : i32
    %add3A_480 = vector.broadcast %add3A_479 : i32 to vector<256x128xi32>
    %add3A_481 = arith.addi %iota3A, %add3A_480 : vector<256x128xi32>
    %jit3A_482 = arith.constant 8192 : i32
    %broadcast_in_dim3A_483 = vector.broadcast %jit3A_482 : i32 to vector<256x128xi32>
    %select_n3A_484 = arith.select %eq3A_478, %add3A_481, %broadcast_in_dim3A_483 : vector<256x128xi1>, vector<256x128xi32>
    %min3A_485 = arith.minsi %min3A_475, %select_n3A_484 : vector<256x128xi32>
    %slice3A_486 = vector.extract_strided_slice %sub3A {offsets = [0, 3584], sizes = [256, 128], strides = [1, 1]} : vector<256x8192xf32> to vector<256x128xf32>
    %eq3A_487 = vector.broadcast %broadcast_in_dim3A_192 : vector<256x1xf32> to vector<256x128xf32>
    %eq3A_488 = arith.cmpf oeq, %slice3A_486, %eq3A_487 : vector<256x128xf32>
    %add3A_489 = arith.constant 3584 : i32
    %add3A_490 = vector.broadcast %add3A_489 : i32 to vector<256x128xi32>
    %add3A_491 = arith.addi %iota3A, %add3A_490 : vector<256x128xi32>
    %jit3A_492 = arith.constant 8192 : i32
    %broadcast_in_dim3A_493 = vector.broadcast %jit3A_492 : i32 to vector<256x128xi32>
    %select_n3A_494 = arith.select %eq3A_488, %add3A_491, %broadcast_in_dim3A_493 : vector<256x128xi1>, vector<256x128xi32>
    %min3A_495 = arith.minsi %min3A_485, %select_n3A_494 : vector<256x128xi32>
    %slice3A_496 = vector.extract_strided_slice %sub3A {offsets = [0, 3712], sizes = [256, 128], strides = [1, 1]} : vector<256x8192xf32> to vector<256x128xf32>
    %eq3A_497 = vector.broadcast %broadcast_in_dim3A_192 : vector<256x1xf32> to vector<256x128xf32>
    %eq3A_498 = arith.cmpf oeq, %slice3A_496, %eq3A_497 : vector<256x128xf32>
    %add3A_499 = arith.constant 3712 : i32
    %add3A_500 = vector.broadcast %add3A_499 : i32 to vector<256x128xi32>
    %add3A_501 = arith.addi %iota3A, %add3A_500 : vector<256x128xi32>
    %jit3A_502 = arith.constant 8192 : i32
    %broadcast_in_dim3A_503 = vector.broadcast %jit3A_502 : i32 to vector<256x128xi32>
    %select_n3A_504 = arith.select %eq3A_498, %add3A_501, %broadcast_in_dim3A_503 : vector<256x128xi1>, vector<256x128xi32>
    %min3A_505 = arith.minsi %min3A_495, %select_n3A_504 : vector<256x128xi32>
    %slice3A_506 = vector.extract_strided_slice %sub3A {offsets = [0, 3840], sizes = [256, 128], strides = [1, 1]} : vector<256x8192xf32> to vector<256x128xf32>
    %eq3A_507 = vector.broadcast %broadcast_in_dim3A_192 : vector<256x1xf32> to vector<256x128xf32>
    %eq3A_508 = arith.cmpf oeq, %slice3A_506, %eq3A_507 : vector<256x128xf32>
    %add3A_509 = arith.constant 3840 : i32
    %add3A_510 = vector.broadcast %add3A_509 : i32 to vector<256x128xi32>
    %add3A_511 = arith.addi %iota3A, %add3A_510 : vector<256x128xi32>
    %jit3A_512 = arith.constant 8192 : i32
    %broadcast_in_dim3A_513 = vector.broadcast %jit3A_512 : i32 to vector<256x128xi32>
    %select_n3A_514 = arith.select %eq3A_508, %add3A_511, %broadcast_in_dim3A_513 : vector<256x128xi1>, vector<256x128xi32>
    %min3A_515 = arith.minsi %min3A_505, %select_n3A_514 : vector<256x128xi32>
    %slice3A_516 = vector.extract_strided_slice %sub3A {offsets = [0, 3968], sizes = [256, 128], strides = [1, 1]} : vector<256x8192xf32> to vector<256x128xf32>
    %eq3A_517 = vector.broadcast %broadcast_in_dim3A_192 : vector<256x1xf32> to vector<256x128xf32>
    %eq3A_518 = arith.cmpf oeq, %slice3A_516, %eq3A_517 : vector<256x128xf32>
    %add3A_519 = arith.constant 3968 : i32
    %add3A_520 = vector.broadcast %add3A_519 : i32 to vector<256x128xi32>
    %add3A_521 = arith.addi %iota3A, %add3A_520 : vector<256x128xi32>
    %jit3A_522 = arith.constant 8192 : i32
    %broadcast_in_dim3A_523 = vector.broadcast %jit3A_522 : i32 to vector<256x128xi32>
    %select_n3A_524 = arith.select %eq3A_518, %add3A_521, %broadcast_in_dim3A_523 : vector<256x128xi1>, vector<256x128xi32>
    %min3A_525 = arith.minsi %min3A_515, %select_n3A_524 : vector<256x128xi32>
    %slice3A_526 = vector.extract_strided_slice %sub3A {offsets = [0, 4096], sizes = [256, 128], strides = [1, 1]} : vector<256x8192xf32> to vector<256x128xf32>
    %eq3A_527 = vector.broadcast %broadcast_in_dim3A_192 : vector<256x1xf32> to vector<256x128xf32>
    %eq3A_528 = arith.cmpf oeq, %slice3A_526, %eq3A_527 : vector<256x128xf32>
    %add3A_529 = arith.constant 4096 : i32
    %add3A_530 = vector.broadcast %add3A_529 : i32 to vector<256x128xi32>
    %add3A_531 = arith.addi %iota3A, %add3A_530 : vector<256x128xi32>
    %jit3A_532 = arith.constant 8192 : i32
    %broadcast_in_dim3A_533 = vector.broadcast %jit3A_532 : i32 to vector<256x128xi32>
    %select_n3A_534 = arith.select %eq3A_528, %add3A_531, %broadcast_in_dim3A_533 : vector<256x128xi1>, vector<256x128xi32>
    %min3A_535 = arith.minsi %min3A_525, %select_n3A_534 : vector<256x128xi32>
    %slice3A_536 = vector.extract_strided_slice %sub3A {offsets = [0, 4224], sizes = [256, 128], strides = [1, 1]} : vector<256x8192xf32> to vector<256x128xf32>
    %eq3A_537 = vector.broadcast %broadcast_in_dim3A_192 : vector<256x1xf32> to vector<256x128xf32>
    %eq3A_538 = arith.cmpf oeq, %slice3A_536, %eq3A_537 : vector<256x128xf32>
    %add3A_539 = arith.constant 4224 : i32
    %add3A_540 = vector.broadcast %add3A_539 : i32 to vector<256x128xi32>
    %add3A_541 = arith.addi %iota3A, %add3A_540 : vector<256x128xi32>
    %jit3A_542 = arith.constant 8192 : i32
    %broadcast_in_dim3A_543 = vector.broadcast %jit3A_542 : i32 to vector<256x128xi32>
    %select_n3A_544 = arith.select %eq3A_538, %add3A_541, %broadcast_in_dim3A_543 : vector<256x128xi1>, vector<256x128xi32>
    %min3A_545 = arith.minsi %min3A_535, %select_n3A_544 : vector<256x128xi32>
    %slice3A_546 = vector.extract_strided_slice %sub3A {offsets = [0, 4352], sizes = [256, 128], strides = [1, 1]} : vector<256x8192xf32> to vector<256x128xf32>
    %eq3A_547 = vector.broadcast %broadcast_in_dim3A_192 : vector<256x1xf32> to vector<256x128xf32>
    %eq3A_548 = arith.cmpf oeq, %slice3A_546, %eq3A_547 : vector<256x128xf32>
    %add3A_549 = arith.constant 4352 : i32
    %add3A_550 = vector.broadcast %add3A_549 : i32 to vector<256x128xi32>
    %add3A_551 = arith.addi %iota3A, %add3A_550 : vector<256x128xi32>
    %jit3A_552 = arith.constant 8192 : i32
    %broadcast_in_dim3A_553 = vector.broadcast %jit3A_552 : i32 to vector<256x128xi32>
    %select_n3A_554 = arith.select %eq3A_548, %add3A_551, %broadcast_in_dim3A_553 : vector<256x128xi1>, vector<256x128xi32>
    %min3A_555 = arith.minsi %min3A_545, %select_n3A_554 : vector<256x128xi32>
    %slice3A_556 = vector.extract_strided_slice %sub3A {offsets = [0, 4480], sizes = [256, 128], strides = [1, 1]} : vector<256x8192xf32> to vector<256x128xf32>
    %eq3A_557 = vector.broadcast %broadcast_in_dim3A_192 : vector<256x1xf32> to vector<256x128xf32>
    %eq3A_558 = arith.cmpf oeq, %slice3A_556, %eq3A_557 : vector<256x128xf32>
    %add3A_559 = arith.constant 4480 : i32
    %add3A_560 = vector.broadcast %add3A_559 : i32 to vector<256x128xi32>
    %add3A_561 = arith.addi %iota3A, %add3A_560 : vector<256x128xi32>
    %jit3A_562 = arith.constant 8192 : i32
    %broadcast_in_dim3A_563 = vector.broadcast %jit3A_562 : i32 to vector<256x128xi32>
    %select_n3A_564 = arith.select %eq3A_558, %add3A_561, %broadcast_in_dim3A_563 : vector<256x128xi1>, vector<256x128xi32>
    %min3A_565 = arith.minsi %min3A_555, %select_n3A_564 : vector<256x128xi32>
    %slice3A_566 = vector.extract_strided_slice %sub3A {offsets = [0, 4608], sizes = [256, 128], strides = [1, 1]} : vector<256x8192xf32> to vector<256x128xf32>
    %eq3A_567 = vector.broadcast %broadcast_in_dim3A_192 : vector<256x1xf32> to vector<256x128xf32>
    %eq3A_568 = arith.cmpf oeq, %slice3A_566, %eq3A_567 : vector<256x128xf32>
    %add3A_569 = arith.constant 4608 : i32
    %add3A_570 = vector.broadcast %add3A_569 : i32 to vector<256x128xi32>
    %add3A_571 = arith.addi %iota3A, %add3A_570 : vector<256x128xi32>
    %jit3A_572 = arith.constant 8192 : i32
    %broadcast_in_dim3A_573 = vector.broadcast %jit3A_572 : i32 to vector<256x128xi32>
    %select_n3A_574 = arith.select %eq3A_568, %add3A_571, %broadcast_in_dim3A_573 : vector<256x128xi1>, vector<256x128xi32>
    %min3A_575 = arith.minsi %min3A_565, %select_n3A_574 : vector<256x128xi32>
    %slice3A_576 = vector.extract_strided_slice %sub3A {offsets = [0, 4736], sizes = [256, 128], strides = [1, 1]} : vector<256x8192xf32> to vector<256x128xf32>
    %eq3A_577 = vector.broadcast %broadcast_in_dim3A_192 : vector<256x1xf32> to vector<256x128xf32>
    %eq3A_578 = arith.cmpf oeq, %slice3A_576, %eq3A_577 : vector<256x128xf32>
    %add3A_579 = arith.constant 4736 : i32
    %add3A_580 = vector.broadcast %add3A_579 : i32 to vector<256x128xi32>
    %add3A_581 = arith.addi %iota3A, %add3A_580 : vector<256x128xi32>
    %jit3A_582 = arith.constant 8192 : i32
    %broadcast_in_dim3A_583 = vector.broadcast %jit3A_582 : i32 to vector<256x128xi32>
    %select_n3A_584 = arith.select %eq3A_578, %add3A_581, %broadcast_in_dim3A_583 : vector<256x128xi1>, vector<256x128xi32>
    %min3A_585 = arith.minsi %min3A_575, %select_n3A_584 : vector<256x128xi32>
    %slice3A_586 = vector.extract_strided_slice %sub3A {offsets = [0, 4864], sizes = [256, 128], strides = [1, 1]} : vector<256x8192xf32> to vector<256x128xf32>
    %eq3A_587 = vector.broadcast %broadcast_in_dim3A_192 : vector<256x1xf32> to vector<256x128xf32>
    %eq3A_588 = arith.cmpf oeq, %slice3A_586, %eq3A_587 : vector<256x128xf32>
    %add3A_589 = arith.constant 4864 : i32
    %add3A_590 = vector.broadcast %add3A_589 : i32 to vector<256x128xi32>
    %add3A_591 = arith.addi %iota3A, %add3A_590 : vector<256x128xi32>
    %jit3A_592 = arith.constant 8192 : i32
    %broadcast_in_dim3A_593 = vector.broadcast %jit3A_592 : i32 to vector<256x128xi32>
    %select_n3A_594 = arith.select %eq3A_588, %add3A_591, %broadcast_in_dim3A_593 : vector<256x128xi1>, vector<256x128xi32>
    %min3A_595 = arith.minsi %min3A_585, %select_n3A_594 : vector<256x128xi32>
    %slice3A_596 = vector.extract_strided_slice %sub3A {offsets = [0, 4992], sizes = [256, 128], strides = [1, 1]} : vector<256x8192xf32> to vector<256x128xf32>
    %eq3A_597 = vector.broadcast %broadcast_in_dim3A_192 : vector<256x1xf32> to vector<256x128xf32>
    %eq3A_598 = arith.cmpf oeq, %slice3A_596, %eq3A_597 : vector<256x128xf32>
    %add3A_599 = arith.constant 4992 : i32
    %add3A_600 = vector.broadcast %add3A_599 : i32 to vector<256x128xi32>
    %add3A_601 = arith.addi %iota3A, %add3A_600 : vector<256x128xi32>
    %jit3A_602 = arith.constant 8192 : i32
    %broadcast_in_dim3A_603 = vector.broadcast %jit3A_602 : i32 to vector<256x128xi32>
    %select_n3A_604 = arith.select %eq3A_598, %add3A_601, %broadcast_in_dim3A_603 : vector<256x128xi1>, vector<256x128xi32>
    %min3A_605 = arith.minsi %min3A_595, %select_n3A_604 : vector<256x128xi32>
    %slice3A_606 = vector.extract_strided_slice %sub3A {offsets = [0, 5120], sizes = [256, 128], strides = [1, 1]} : vector<256x8192xf32> to vector<256x128xf32>
    %eq3A_607 = vector.broadcast %broadcast_in_dim3A_192 : vector<256x1xf32> to vector<256x128xf32>
    %eq3A_608 = arith.cmpf oeq, %slice3A_606, %eq3A_607 : vector<256x128xf32>
    %add3A_609 = arith.constant 5120 : i32
    %add3A_610 = vector.broadcast %add3A_609 : i32 to vector<256x128xi32>
    %add3A_611 = arith.addi %iota3A, %add3A_610 : vector<256x128xi32>
    %jit3A_612 = arith.constant 8192 : i32
    %broadcast_in_dim3A_613 = vector.broadcast %jit3A_612 : i32 to vector<256x128xi32>
    %select_n3A_614 = arith.select %eq3A_608, %add3A_611, %broadcast_in_dim3A_613 : vector<256x128xi1>, vector<256x128xi32>
    %min3A_615 = arith.minsi %min3A_605, %select_n3A_614 : vector<256x128xi32>
    %slice3A_616 = vector.extract_strided_slice %sub3A {offsets = [0, 5248], sizes = [256, 128], strides = [1, 1]} : vector<256x8192xf32> to vector<256x128xf32>
    %eq3A_617 = vector.broadcast %broadcast_in_dim3A_192 : vector<256x1xf32> to vector<256x128xf32>
    %eq3A_618 = arith.cmpf oeq, %slice3A_616, %eq3A_617 : vector<256x128xf32>
    %add3A_619 = arith.constant 5248 : i32
    %add3A_620 = vector.broadcast %add3A_619 : i32 to vector<256x128xi32>
    %add3A_621 = arith.addi %iota3A, %add3A_620 : vector<256x128xi32>
    %jit3A_622 = arith.constant 8192 : i32
    %broadcast_in_dim3A_623 = vector.broadcast %jit3A_622 : i32 to vector<256x128xi32>
    %select_n3A_624 = arith.select %eq3A_618, %add3A_621, %broadcast_in_dim3A_623 : vector<256x128xi1>, vector<256x128xi32>
    %min3A_625 = arith.minsi %min3A_615, %select_n3A_624 : vector<256x128xi32>
    %slice3A_626 = vector.extract_strided_slice %sub3A {offsets = [0, 5376], sizes = [256, 128], strides = [1, 1]} : vector<256x8192xf32> to vector<256x128xf32>
    %eq3A_627 = vector.broadcast %broadcast_in_dim3A_192 : vector<256x1xf32> to vector<256x128xf32>
    %eq3A_628 = arith.cmpf oeq, %slice3A_626, %eq3A_627 : vector<256x128xf32>
    %add3A_629 = arith.constant 5376 : i32
    %add3A_630 = vector.broadcast %add3A_629 : i32 to vector<256x128xi32>
    %add3A_631 = arith.addi %iota3A, %add3A_630 : vector<256x128xi32>
    %jit3A_632 = arith.constant 8192 : i32
    %broadcast_in_dim3A_633 = vector.broadcast %jit3A_632 : i32 to vector<256x128xi32>
    %select_n3A_634 = arith.select %eq3A_628, %add3A_631, %broadcast_in_dim3A_633 : vector<256x128xi1>, vector<256x128xi32>
    %lt3A_635 = arith.constant 96 : i32
    %lt3A_636 = vector.broadcast %lt3A_635 : i32 to vector<256x128xi32>
    %lt3A_637 = arith.cmpi slt, %iota3A, %lt3A_636 : vector<256x128xi32>
    %ge3A_638 = arith.constant 96 : i32
    %ge3A_639 = vector.broadcast %ge3A_638 : i32 to vector<256x128xi32>
    %ge3A_640 = arith.cmpi sge, %iota3A, %ge3A_639 : vector<256x128xi32>
    %jit3A_641 = arith.constant 8192 : i32
    %broadcast_in_dim3A_642 = vector.broadcast %jit3A_641 : i32 to vector<256x128xi32>
    %select_n3A_643 = arith.select %lt3A_637, %select_n3A_634, %broadcast_in_dim3A_642 : vector<256x128xi1>, vector<256x128xi32>
    %min3A_644 = arith.minsi %min3A_625, %select_n3A_643 : vector<256x128xi32>
    %jit3A_645 = arith.constant 8192 : i32
    %broadcast_in_dim3A_646 = vector.broadcast %jit3A_645 : i32 to vector<256x128xi32>
    %select_n3A_647 = arith.select %ge3A_640, %select_n3A_634, %broadcast_in_dim3A_646 : vector<256x128xi1>, vector<256x128xi32>
    %min3A_648 = arith.minsi %broadcast_in_dim3A_191, %select_n3A_647 : vector<256x128xi32>
    %slice3A_649 = vector.extract_strided_slice %sub3A {offsets = [0, 5504], sizes = [256, 128], strides = [1, 1]} : vector<256x8192xf32> to vector<256x128xf32>
    %eq3A_650 = vector.broadcast %broadcast_in_dim3A_192 : vector<256x1xf32> to vector<256x128xf32>
    %eq3A_651 = arith.cmpf oeq, %slice3A_649, %eq3A_650 : vector<256x128xf32>
    %add3A_652 = arith.constant 5504 : i32
    %add3A_653 = vector.broadcast %add3A_652 : i32 to vector<256x128xi32>
    %add3A_654 = arith.addi %iota3A, %add3A_653 : vector<256x128xi32>
    %jit3A_655 = arith.constant 8192 : i32
    %broadcast_in_dim3A_656 = vector.broadcast %jit3A_655 : i32 to vector<256x128xi32>
    %select_n3A_657 = arith.select %eq3A_651, %add3A_654, %broadcast_in_dim3A_656 : vector<256x128xi1>, vector<256x128xi32>
    %min3A_658 = arith.minsi %min3A_648, %select_n3A_657 : vector<256x128xi32>
    %slice3A_659 = vector.extract_strided_slice %sub3A {offsets = [0, 5632], sizes = [256, 128], strides = [1, 1]} : vector<256x8192xf32> to vector<256x128xf32>
    %eq3A_660 = vector.broadcast %broadcast_in_dim3A_192 : vector<256x1xf32> to vector<256x128xf32>
    %eq3A_661 = arith.cmpf oeq, %slice3A_659, %eq3A_660 : vector<256x128xf32>
    %add3A_662 = arith.constant 5632 : i32
    %add3A_663 = vector.broadcast %add3A_662 : i32 to vector<256x128xi32>
    %add3A_664 = arith.addi %iota3A, %add3A_663 : vector<256x128xi32>
    %jit3A_665 = arith.constant 8192 : i32
    %broadcast_in_dim3A_666 = vector.broadcast %jit3A_665 : i32 to vector<256x128xi32>
    %select_n3A_667 = arith.select %eq3A_661, %add3A_664, %broadcast_in_dim3A_666 : vector<256x128xi1>, vector<256x128xi32>
    %min3A_668 = arith.minsi %min3A_658, %select_n3A_667 : vector<256x128xi32>
    %slice3A_669 = vector.extract_strided_slice %sub3A {offsets = [0, 5760], sizes = [256, 128], strides = [1, 1]} : vector<256x8192xf32> to vector<256x128xf32>
    %eq3A_670 = vector.broadcast %broadcast_in_dim3A_192 : vector<256x1xf32> to vector<256x128xf32>
    %eq3A_671 = arith.cmpf oeq, %slice3A_669, %eq3A_670 : vector<256x128xf32>
    %add3A_672 = arith.constant 5760 : i32
    %add3A_673 = vector.broadcast %add3A_672 : i32 to vector<256x128xi32>
    %add3A_674 = arith.addi %iota3A, %add3A_673 : vector<256x128xi32>
    %jit3A_675 = arith.constant 8192 : i32
    %broadcast_in_dim3A_676 = vector.broadcast %jit3A_675 : i32 to vector<256x128xi32>
    %select_n3A_677 = arith.select %eq3A_671, %add3A_674, %broadcast_in_dim3A_676 : vector<256x128xi1>, vector<256x128xi32>
    %min3A_678 = arith.minsi %min3A_668, %select_n3A_677 : vector<256x128xi32>
    %slice3A_679 = vector.extract_strided_slice %sub3A {offsets = [0, 5888], sizes = [256, 128], strides = [1, 1]} : vector<256x8192xf32> to vector<256x128xf32>
    %eq3A_680 = vector.broadcast %broadcast_in_dim3A_192 : vector<256x1xf32> to vector<256x128xf32>
    %eq3A_681 = arith.cmpf oeq, %slice3A_679, %eq3A_680 : vector<256x128xf32>
    %add3A_682 = arith.constant 5888 : i32
    %add3A_683 = vector.broadcast %add3A_682 : i32 to vector<256x128xi32>
    %add3A_684 = arith.addi %iota3A, %add3A_683 : vector<256x128xi32>
    %jit3A_685 = arith.constant 8192 : i32
    %broadcast_in_dim3A_686 = vector.broadcast %jit3A_685 : i32 to vector<256x128xi32>
    %select_n3A_687 = arith.select %eq3A_681, %add3A_684, %broadcast_in_dim3A_686 : vector<256x128xi1>, vector<256x128xi32>
    %min3A_688 = arith.minsi %min3A_678, %select_n3A_687 : vector<256x128xi32>
    %slice3A_689 = vector.extract_strided_slice %sub3A {offsets = [0, 6016], sizes = [256, 128], strides = [1, 1]} : vector<256x8192xf32> to vector<256x128xf32>
    %eq3A_690 = vector.broadcast %broadcast_in_dim3A_192 : vector<256x1xf32> to vector<256x128xf32>
    %eq3A_691 = arith.cmpf oeq, %slice3A_689, %eq3A_690 : vector<256x128xf32>
    %add3A_692 = arith.constant 6016 : i32
    %add3A_693 = vector.broadcast %add3A_692 : i32 to vector<256x128xi32>
    %add3A_694 = arith.addi %iota3A, %add3A_693 : vector<256x128xi32>
    %jit3A_695 = arith.constant 8192 : i32
    %broadcast_in_dim3A_696 = vector.broadcast %jit3A_695 : i32 to vector<256x128xi32>
    %select_n3A_697 = arith.select %eq3A_691, %add3A_694, %broadcast_in_dim3A_696 : vector<256x128xi1>, vector<256x128xi32>
    %min3A_698 = arith.minsi %min3A_688, %select_n3A_697 : vector<256x128xi32>
    %slice3A_699 = vector.extract_strided_slice %sub3A {offsets = [0, 6144], sizes = [256, 128], strides = [1, 1]} : vector<256x8192xf32> to vector<256x128xf32>
    %eq3A_700 = vector.broadcast %broadcast_in_dim3A_192 : vector<256x1xf32> to vector<256x128xf32>
    %eq3A_701 = arith.cmpf oeq, %slice3A_699, %eq3A_700 : vector<256x128xf32>
    %add3A_702 = arith.constant 6144 : i32
    %add3A_703 = vector.broadcast %add3A_702 : i32 to vector<256x128xi32>
    %add3A_704 = arith.addi %iota3A, %add3A_703 : vector<256x128xi32>
    %jit3A_705 = arith.constant 8192 : i32
    %broadcast_in_dim3A_706 = vector.broadcast %jit3A_705 : i32 to vector<256x128xi32>
    %select_n3A_707 = arith.select %eq3A_701, %add3A_704, %broadcast_in_dim3A_706 : vector<256x128xi1>, vector<256x128xi32>
    %min3A_708 = arith.minsi %min3A_698, %select_n3A_707 : vector<256x128xi32>
    %slice3A_709 = vector.extract_strided_slice %sub3A {offsets = [0, 6272], sizes = [256, 128], strides = [1, 1]} : vector<256x8192xf32> to vector<256x128xf32>
    %eq3A_710 = vector.broadcast %broadcast_in_dim3A_192 : vector<256x1xf32> to vector<256x128xf32>
    %eq3A_711 = arith.cmpf oeq, %slice3A_709, %eq3A_710 : vector<256x128xf32>
    %add3A_712 = arith.constant 6272 : i32
    %add3A_713 = vector.broadcast %add3A_712 : i32 to vector<256x128xi32>
    %add3A_714 = arith.addi %iota3A, %add3A_713 : vector<256x128xi32>
    %jit3A_715 = arith.constant 8192 : i32
    %broadcast_in_dim3A_716 = vector.broadcast %jit3A_715 : i32 to vector<256x128xi32>
    %select_n3A_717 = arith.select %eq3A_711, %add3A_714, %broadcast_in_dim3A_716 : vector<256x128xi1>, vector<256x128xi32>
    %min3A_718 = arith.minsi %min3A_708, %select_n3A_717 : vector<256x128xi32>
    %slice3A_719 = vector.extract_strided_slice %sub3A {offsets = [0, 6400], sizes = [256, 128], strides = [1, 1]} : vector<256x8192xf32> to vector<256x128xf32>
    %eq3A_720 = vector.broadcast %broadcast_in_dim3A_192 : vector<256x1xf32> to vector<256x128xf32>
    %eq3A_721 = arith.cmpf oeq, %slice3A_719, %eq3A_720 : vector<256x128xf32>
    %add3A_722 = arith.constant 6400 : i32
    %add3A_723 = vector.broadcast %add3A_722 : i32 to vector<256x128xi32>
    %add3A_724 = arith.addi %iota3A, %add3A_723 : vector<256x128xi32>
    %jit3A_725 = arith.constant 8192 : i32
    %broadcast_in_dim3A_726 = vector.broadcast %jit3A_725 : i32 to vector<256x128xi32>
    %select_n3A_727 = arith.select %eq3A_721, %add3A_724, %broadcast_in_dim3A_726 : vector<256x128xi1>, vector<256x128xi32>
    %min3A_728 = arith.minsi %min3A_718, %select_n3A_727 : vector<256x128xi32>
    %slice3A_729 = vector.extract_strided_slice %sub3A {offsets = [0, 6528], sizes = [256, 128], strides = [1, 1]} : vector<256x8192xf32> to vector<256x128xf32>
    %eq3A_730 = vector.broadcast %broadcast_in_dim3A_192 : vector<256x1xf32> to vector<256x128xf32>
    %eq3A_731 = arith.cmpf oeq, %slice3A_729, %eq3A_730 : vector<256x128xf32>
    %add3A_732 = arith.constant 6528 : i32
    %add3A_733 = vector.broadcast %add3A_732 : i32 to vector<256x128xi32>
    %add3A_734 = arith.addi %iota3A, %add3A_733 : vector<256x128xi32>
    %jit3A_735 = arith.constant 8192 : i32
    %broadcast_in_dim3A_736 = vector.broadcast %jit3A_735 : i32 to vector<256x128xi32>
    %select_n3A_737 = arith.select %eq3A_731, %add3A_734, %broadcast_in_dim3A_736 : vector<256x128xi1>, vector<256x128xi32>
    %min3A_738 = arith.minsi %min3A_728, %select_n3A_737 : vector<256x128xi32>
    %slice3A_739 = vector.extract_strided_slice %sub3A {offsets = [0, 6656], sizes = [256, 128], strides = [1, 1]} : vector<256x8192xf32> to vector<256x128xf32>
    %eq3A_740 = vector.broadcast %broadcast_in_dim3A_192 : vector<256x1xf32> to vector<256x128xf32>
    %eq3A_741 = arith.cmpf oeq, %slice3A_739, %eq3A_740 : vector<256x128xf32>
    %add3A_742 = arith.constant 6656 : i32
    %add3A_743 = vector.broadcast %add3A_742 : i32 to vector<256x128xi32>
    %add3A_744 = arith.addi %iota3A, %add3A_743 : vector<256x128xi32>
    %jit3A_745 = arith.constant 8192 : i32
    %broadcast_in_dim3A_746 = vector.broadcast %jit3A_745 : i32 to vector<256x128xi32>
    %select_n3A_747 = arith.select %eq3A_741, %add3A_744, %broadcast_in_dim3A_746 : vector<256x128xi1>, vector<256x128xi32>
    %min3A_748 = arith.minsi %min3A_738, %select_n3A_747 : vector<256x128xi32>
    %slice3A_749 = vector.extract_strided_slice %sub3A {offsets = [0, 6784], sizes = [256, 128], strides = [1, 1]} : vector<256x8192xf32> to vector<256x128xf32>
    %eq3A_750 = vector.broadcast %broadcast_in_dim3A_192 : vector<256x1xf32> to vector<256x128xf32>
    %eq3A_751 = arith.cmpf oeq, %slice3A_749, %eq3A_750 : vector<256x128xf32>
    %add3A_752 = arith.constant 6784 : i32
    %add3A_753 = vector.broadcast %add3A_752 : i32 to vector<256x128xi32>
    %add3A_754 = arith.addi %iota3A, %add3A_753 : vector<256x128xi32>
    %jit3A_755 = arith.constant 8192 : i32
    %broadcast_in_dim3A_756 = vector.broadcast %jit3A_755 : i32 to vector<256x128xi32>
    %select_n3A_757 = arith.select %eq3A_751, %add3A_754, %broadcast_in_dim3A_756 : vector<256x128xi1>, vector<256x128xi32>
    %min3A_758 = arith.minsi %min3A_748, %select_n3A_757 : vector<256x128xi32>
    %slice3A_759 = vector.extract_strided_slice %sub3A {offsets = [0, 6912], sizes = [256, 128], strides = [1, 1]} : vector<256x8192xf32> to vector<256x128xf32>
    %eq3A_760 = vector.broadcast %broadcast_in_dim3A_192 : vector<256x1xf32> to vector<256x128xf32>
    %eq3A_761 = arith.cmpf oeq, %slice3A_759, %eq3A_760 : vector<256x128xf32>
    %add3A_762 = arith.constant 6912 : i32
    %add3A_763 = vector.broadcast %add3A_762 : i32 to vector<256x128xi32>
    %add3A_764 = arith.addi %iota3A, %add3A_763 : vector<256x128xi32>
    %jit3A_765 = arith.constant 8192 : i32
    %broadcast_in_dim3A_766 = vector.broadcast %jit3A_765 : i32 to vector<256x128xi32>
    %select_n3A_767 = arith.select %eq3A_761, %add3A_764, %broadcast_in_dim3A_766 : vector<256x128xi1>, vector<256x128xi32>
    %min3A_768 = arith.minsi %min3A_758, %select_n3A_767 : vector<256x128xi32>
    %slice3A_769 = vector.extract_strided_slice %sub3A {offsets = [0, 7040], sizes = [256, 128], strides = [1, 1]} : vector<256x8192xf32> to vector<256x128xf32>
    %eq3A_770 = vector.broadcast %broadcast_in_dim3A_192 : vector<256x1xf32> to vector<256x128xf32>
    %eq3A_771 = arith.cmpf oeq, %slice3A_769, %eq3A_770 : vector<256x128xf32>
    %add3A_772 = arith.constant 7040 : i32
    %add3A_773 = vector.broadcast %add3A_772 : i32 to vector<256x128xi32>
    %add3A_774 = arith.addi %iota3A, %add3A_773 : vector<256x128xi32>
    %jit3A_775 = arith.constant 8192 : i32
    %broadcast_in_dim3A_776 = vector.broadcast %jit3A_775 : i32 to vector<256x128xi32>
    %select_n3A_777 = arith.select %eq3A_771, %add3A_774, %broadcast_in_dim3A_776 : vector<256x128xi1>, vector<256x128xi32>
    %min3A_778 = arith.minsi %min3A_768, %select_n3A_777 : vector<256x128xi32>
    %slice3A_779 = vector.extract_strided_slice %sub3A {offsets = [0, 7168], sizes = [256, 128], strides = [1, 1]} : vector<256x8192xf32> to vector<256x128xf32>
    %eq3A_780 = vector.broadcast %broadcast_in_dim3A_192 : vector<256x1xf32> to vector<256x128xf32>
    %eq3A_781 = arith.cmpf oeq, %slice3A_779, %eq3A_780 : vector<256x128xf32>
    %add3A_782 = arith.constant 7168 : i32
    %add3A_783 = vector.broadcast %add3A_782 : i32 to vector<256x128xi32>
    %add3A_784 = arith.addi %iota3A, %add3A_783 : vector<256x128xi32>
    %jit3A_785 = arith.constant 8192 : i32
    %broadcast_in_dim3A_786 = vector.broadcast %jit3A_785 : i32 to vector<256x128xi32>
    %select_n3A_787 = arith.select %eq3A_781, %add3A_784, %broadcast_in_dim3A_786 : vector<256x128xi1>, vector<256x128xi32>
    %min3A_788 = arith.minsi %min3A_778, %select_n3A_787 : vector<256x128xi32>
    %slice3A_789 = vector.extract_strided_slice %sub3A {offsets = [0, 7296], sizes = [256, 128], strides = [1, 1]} : vector<256x8192xf32> to vector<256x128xf32>
    %eq3A_790 = vector.broadcast %broadcast_in_dim3A_192 : vector<256x1xf32> to vector<256x128xf32>
    %eq3A_791 = arith.cmpf oeq, %slice3A_789, %eq3A_790 : vector<256x128xf32>
    %add3A_792 = arith.constant 7296 : i32
    %add3A_793 = vector.broadcast %add3A_792 : i32 to vector<256x128xi32>
    %add3A_794 = arith.addi %iota3A, %add3A_793 : vector<256x128xi32>
    %jit3A_795 = arith.constant 8192 : i32
    %broadcast_in_dim3A_796 = vector.broadcast %jit3A_795 : i32 to vector<256x128xi32>
    %select_n3A_797 = arith.select %eq3A_791, %add3A_794, %broadcast_in_dim3A_796 : vector<256x128xi1>, vector<256x128xi32>
    %min3A_798 = arith.minsi %min3A_788, %select_n3A_797 : vector<256x128xi32>
    %slice3A_799 = vector.extract_strided_slice %sub3A {offsets = [0, 7424], sizes = [256, 128], strides = [1, 1]} : vector<256x8192xf32> to vector<256x128xf32>
    %eq3A_800 = vector.broadcast %broadcast_in_dim3A_192 : vector<256x1xf32> to vector<256x128xf32>
    %eq3A_801 = arith.cmpf oeq, %slice3A_799, %eq3A_800 : vector<256x128xf32>
    %add3A_802 = arith.constant 7424 : i32
    %add3A_803 = vector.broadcast %add3A_802 : i32 to vector<256x128xi32>
    %add3A_804 = arith.addi %iota3A, %add3A_803 : vector<256x128xi32>
    %jit3A_805 = arith.constant 8192 : i32
    %broadcast_in_dim3A_806 = vector.broadcast %jit3A_805 : i32 to vector<256x128xi32>
    %select_n3A_807 = arith.select %eq3A_801, %add3A_804, %broadcast_in_dim3A_806 : vector<256x128xi1>, vector<256x128xi32>
    %min3A_808 = arith.minsi %min3A_798, %select_n3A_807 : vector<256x128xi32>
    %slice3A_809 = vector.extract_strided_slice %sub3A {offsets = [0, 7552], sizes = [256, 128], strides = [1, 1]} : vector<256x8192xf32> to vector<256x128xf32>
    %eq3A_810 = vector.broadcast %broadcast_in_dim3A_192 : vector<256x1xf32> to vector<256x128xf32>
    %eq3A_811 = arith.cmpf oeq, %slice3A_809, %eq3A_810 : vector<256x128xf32>
    %add3A_812 = arith.constant 7552 : i32
    %add3A_813 = vector.broadcast %add3A_812 : i32 to vector<256x128xi32>
    %add3A_814 = arith.addi %iota3A, %add3A_813 : vector<256x128xi32>
    %jit3A_815 = arith.constant 8192 : i32
    %broadcast_in_dim3A_816 = vector.broadcast %jit3A_815 : i32 to vector<256x128xi32>
    %select_n3A_817 = arith.select %eq3A_811, %add3A_814, %broadcast_in_dim3A_816 : vector<256x128xi1>, vector<256x128xi32>
    %min3A_818 = arith.minsi %min3A_808, %select_n3A_817 : vector<256x128xi32>
    %slice3A_819 = vector.extract_strided_slice %sub3A {offsets = [0, 7680], sizes = [256, 128], strides = [1, 1]} : vector<256x8192xf32> to vector<256x128xf32>
    %eq3A_820 = vector.broadcast %broadcast_in_dim3A_192 : vector<256x1xf32> to vector<256x128xf32>
    %eq3A_821 = arith.cmpf oeq, %slice3A_819, %eq3A_820 : vector<256x128xf32>
    %add3A_822 = arith.constant 7680 : i32
    %add3A_823 = vector.broadcast %add3A_822 : i32 to vector<256x128xi32>
    %add3A_824 = arith.addi %iota3A, %add3A_823 : vector<256x128xi32>
    %jit3A_825 = arith.constant 8192 : i32
    %broadcast_in_dim3A_826 = vector.broadcast %jit3A_825 : i32 to vector<256x128xi32>
    %select_n3A_827 = arith.select %eq3A_821, %add3A_824, %broadcast_in_dim3A_826 : vector<256x128xi1>, vector<256x128xi32>
    %min3A_828 = arith.minsi %min3A_818, %select_n3A_827 : vector<256x128xi32>
    %slice3A_829 = vector.extract_strided_slice %sub3A {offsets = [0, 7808], sizes = [256, 128], strides = [1, 1]} : vector<256x8192xf32> to vector<256x128xf32>
    %eq3A_830 = vector.broadcast %broadcast_in_dim3A_192 : vector<256x1xf32> to vector<256x128xf32>
    %eq3A_831 = arith.cmpf oeq, %slice3A_829, %eq3A_830 : vector<256x128xf32>
    %add3A_832 = arith.constant 7808 : i32
    %add3A_833 = vector.broadcast %add3A_832 : i32 to vector<256x128xi32>
    %add3A_834 = arith.addi %iota3A, %add3A_833 : vector<256x128xi32>
    %jit3A_835 = arith.constant 8192 : i32
    %broadcast_in_dim3A_836 = vector.broadcast %jit3A_835 : i32 to vector<256x128xi32>
    %select_n3A_837 = arith.select %eq3A_831, %add3A_834, %broadcast_in_dim3A_836 : vector<256x128xi1>, vector<256x128xi32>
    %min3A_838 = arith.minsi %min3A_828, %select_n3A_837 : vector<256x128xi32>
    %slice3A_839 = vector.extract_strided_slice %sub3A {offsets = [0, 7936], sizes = [256, 128], strides = [1, 1]} : vector<256x8192xf32> to vector<256x128xf32>
    %eq3A_840 = vector.broadcast %broadcast_in_dim3A_192 : vector<256x1xf32> to vector<256x128xf32>
    %eq3A_841 = arith.cmpf oeq, %slice3A_839, %eq3A_840 : vector<256x128xf32>
    %add3A_842 = arith.constant 7936 : i32
    %add3A_843 = vector.broadcast %add3A_842 : i32 to vector<256x128xi32>
    %add3A_844 = arith.addi %iota3A, %add3A_843 : vector<256x128xi32>
    %jit3A_845 = arith.constant 8192 : i32
    %broadcast_in_dim3A_846 = vector.broadcast %jit3A_845 : i32 to vector<256x128xi32>
    %select_n3A_847 = arith.select %eq3A_841, %add3A_844, %broadcast_in_dim3A_846 : vector<256x128xi1>, vector<256x128xi32>
    %min3A_848 = arith.minsi %min3A_838, %select_n3A_847 : vector<256x128xi32>
    %slice3A_849 = vector.extract_strided_slice %sub3A {offsets = [0, 8064], sizes = [256, 128], strides = [1, 1]} : vector<256x8192xf32> to vector<256x128xf32>
    %eq3A_850 = vector.broadcast %broadcast_in_dim3A_192 : vector<256x1xf32> to vector<256x128xf32>
    %eq3A_851 = arith.cmpf oeq, %slice3A_849, %eq3A_850 : vector<256x128xf32>
    %add3A_852 = arith.constant 8064 : i32
    %add3A_853 = vector.broadcast %add3A_852 : i32 to vector<256x128xi32>
    %add3A_854 = arith.addi %iota3A, %add3A_853 : vector<256x128xi32>
    %jit3A_855 = arith.constant 8192 : i32
    %broadcast_in_dim3A_856 = vector.broadcast %jit3A_855 : i32 to vector<256x128xi32>
    %select_n3A_857 = arith.select %eq3A_851, %add3A_854, %broadcast_in_dim3A_856 : vector<256x128xi1>, vector<256x128xi32>
    %min3A_858 = arith.minsi %min3A_848, %select_n3A_857 : vector<256x128xi32>
    %reduce_min3A_859 = arith.constant dense<2147483647> : vector<256xi32>
    %reduce_min3A_860 = vector.multi_reduction <minsi>, %min3A_421, %reduce_min3A_859 [1] : vector<256x128xi32> to vector<256xi32>
    %reduce_min3A_861 = arith.constant dense<2147483647> : vector<256xi32>
    %reduce_min3A_862 = vector.multi_reduction <minsi>, %min3A_644, %reduce_min3A_861 [1] : vector<256x128xi32> to vector<256xi32>
    %reduce_min3A_863 = arith.constant dense<2147483647> : vector<256xi32>
    %reduce_min3A_864 = vector.multi_reduction <minsi>, %min3A_858, %reduce_min3A_863 [1] : vector<256x128xi32> to vector<256xi32>
    %eq3A_865 = arith.constant 0 : i32
    %eq3A_866 = vector.broadcast %eq3A_865 : i32 to vector<256xi32>
    %eq3A_867 = arith.cmpi eq, %select_n3A_189, %eq3A_866 : vector<256xi32>
    %eq3A_868 = arith.constant 1 : i32
    %eq3A_869 = vector.broadcast %eq3A_868 : i32 to vector<256xi32>
    %eq3A_870 = arith.cmpi eq, %select_n3A_189, %eq3A_869 : vector<256xi32>
    %select_n3A_871 = arith.select %eq3A_870, %reduce_min3A_862, %reduce_min3A_864 : vector<256xi1>, vector<256xi32>
    %select_n3A_872 = arith.select %eq3A_867, %reduce_min3A_860, %select_n3A_871 : vector<256xi1>, vector<256xi32>
    %swap3A = arith.constant 0 : index
    %swap3A_873 = vector.load %arg5[%swap3A] : memref<256xi32, #tpu.memory_space<vmem>>, vector<256xi32>
    tpu.vector_store %arg5[%swap3A], %select_n3A_872 {strides = array<i32>} : memref<256xi32, #tpu.memory_space<vmem>>, vector<256xi32>,
    %get3A_874 = arith.constant 0 : index
    %get3A_875 = arith.constant 0 : index
    %get3A_876 = memref.load %arg6[%get3A_874, %get3A_875] : memref<1x1xf32, #tpu.memory_space<smem>>
    %reduce_sum3A = vector.shape_cast %select_n3A_186 : vector<256xf32> to vector<1x256xf32>
    %reduce_sum3A_877 = arith.constant dense<0.000000e+00> : vector<1xf32>
    %reduce_sum3A_878 = vector.multi_reduction <add>, %reduce_sum3A, %reduce_sum3A_877 [1] : vector<1x256xf32> to vector<1xf32>
    %reduce_sum3A_879 = vector.shape_cast %reduce_sum3A_878 : vector<1xf32> to vector<1x1xf32>
    %reduce_sum3A_880 = vector.extract %reduce_sum3A_879[0, 0] : f32 from vector<1x1xf32>
    %add3A_881 = arith.addf %get3A_876, %reduce_sum3A_880 : f32
    %swap3A_882 = arith.constant 0 : index
    %swap3A_883 = arith.constant 0 : index
    %swap3A_884 = memref.load %arg6[%swap3A_882, %swap3A_883] : memref<1x1xf32, #tpu.memory_space<smem>>
    memref.store %add3A_881, %arg6[%swap3A_882, %swap3A_883] : memref<1x1xf32, #tpu.memory_space<smem>>
    return
  }
  func.func @transform_0(%arg0: i32) -> (i32, i32) {
    %c0_i32 = arith.constant 0 : i32
    %c0_i32_0 = arith.constant 0 : i32
    return %arg0, %c0_i32 : i32, i32
  }
  func.func @transform_1(%arg0: i32) -> (i32, i32) {
    %c0_i32 = arith.constant 0 : i32
    %c0_i32_0 = arith.constant 0 : i32
    %c0_i32_1 = arith.constant 0 : i32
    return %c0_i32, %c0_i32_0 : i32, i32
  }
  func.func @transform_2(%arg0: i32) -> i32 {
    %c0_i32 = arith.constant 0 : i32
    return %arg0 : i32
  }
  func.func @transform_3(%arg0: i32) -> i32 {
    %c0_i32 = arith.constant 0 : i32
    %c0_i32_0 = arith.constant 0 : i32
    return %c0_i32 : i32
  }
  func.func @transform_4(%arg0: i32) -> i32 {
    %c0_i32 = arith.constant 0 : i32
    return %arg0 : i32
  }
  func.func @transform_5(%arg0: i32) -> (i32, i32) {
    %c0_i32 = arith.constant 0 : i32
    %c0_i32_0 = arith.constant 0 : i32
    %c0_i32_1 = arith.constant 0 : i32
    return %c0_i32, %c0_i32_0 : i32, i32
  }
}

</mosaic_0001>

<sc_bundles>
// kernel: kernel.4.cloned.1.call-start
scs
__scs_entry_jumppad:
0x0: {  	(pc) =	sbr.rel $0x88, $3  }
0x1: {  	(tag) =	ssettag $0x0;
	lr =	simm.s32 $0x1  }
0x2: {  	[smem:$0x3F9F] =	sst lr;
	_ =	strace $0xD0000000  }
0x3: {  	_ = 	snop  }
0x4: {  	_ = 	snop  }
0x5: {  	_ = 	snop  }
0x6: {  	_ = 	snop  }
0x7: {  	_ = 	snop  }
__scs_overlays_trampoline_lowered:
0x8: {  	[smem:$0x3FAE] =	sst s0  }
0x9: {  	[smem:$0x3FAF] =	sst s1  }
0xa: {  	[smem:$0x3FB0] =	sst s2  }
0xb: {  	[smem:$0x3FB1] =	sst s3  }
0xc: {  	[smem:$0x3FB2] =	sst s4  }
0xd: {  	[smem:$0x3FB3] =	sst s5  }
0xe: {  	[smem:$0x3FB4] =	sst s6  }
0xf: {  	[smem:$0x3FB5] =	sst s7  }
0x10: {  	[smem:$0x3FB6] =	sst s8  }
0x11: {  	[smem:$0x3FB7] =	sst s9;
	s0 =	simm.s32 @!p0 $0x0  }
0x12: {  	s1 =	sld [smem:$0x3F9D];
	s0 =	simm.s32 @p0 $0x1  }
0x13: {  	[smem:$0x3FB8] =	sst s0;
	s0 =	simm.s32 @!p1 $0x0  }
0x14: {  	s2 =	sld [smem:$0x3F9C];
	s0 =	simm.s32 @p1 $0x1  }
0x15: {  	[smem:$0x3FB9] =	sst s0;
	s0 =	simm.s32 @!p2 $0x0  }
0x16: {  	s3 =	sld [smem:$0x3FDB];
	s0 =	simm.s32 @p2 $0x1  }
0x17: {  	s4 =	simm.s32 $0x1BF5;
	[smem:$0x3FBB] =	sst s0  }
0x18: {  	s0 =	sld [smem:$0x3F9E];
	_ =	swait.ge [sflag:s4], $0x0  }
0x19: {  	s7 =	sld [smem:$0x3F9F]  }
0x1a: {  	s8 =	sadd.s32 $0xFFFFE003, lr  }
0x1b: {  	s9 =	sadd.s32 $0xFFFFFEF7, lr;
	s5 =	simm.s32 $0xFFFFFFFF;
	p2 =	slt.u32 s8, $0xFFFFF086  }
0x1c: {  	p1 =	slt.u32 s9, $0xF7A;
	s5 =	simm.s32 @!p2 $0x0  }
0x1d: {  	s5 =	simm.s32 @p1 $0x1;
	p0 =	seq.s32 s7, s2  }
0x1e: {  	s7 =	smul.u32 @!p0 $0xF7A, s2;
	p2 =	seq.s32 @!p0 s5, $0x0  }
0x1f: {  	s9 =	smul.u32 $0xF7A, s1;
	s8 =	simm.s32 @!p0 $0x1BF5;
	p2 =	por !p2, p0  }
0x20: {  	[sflag:s8] =	ssyncset.s32 @!p0 $0xFFFFF086;
	s6 =	sadd.s32 @!p0 s3, s7;
	s7 =	simm.s32 @!p0 $0x108  }
0x21: {  	s3 =	sadd.s32 s3, s9;
	s6 =	sadd.s32 @!p0 $0x88, s6;
	s7 =	simm.s32 @p2 $0x1082  }
0x22: {  	[simem:s7], [sflag:s8] =	dma.local @!p0 [hbm:s6], $0xF7A  }
0x23: {  	s9 =	sor.u32 $0xD0000000, s2;
	s6 =	simm.s32 $0x108;
	_ =	swait.ge @!p0 [sflag:s8], $0x0  }
0x24: {  	s3 =	sadd.s32 $0x88, s3;
	s6 =	simm.s32 @!p1 $0x1082;
	[sflag:s4] =	ssyncset.s32 $0xFFFFF086  }
0x25: {  	[simem:s6], [sflag:s4] =	dma.local [hbm:s3], $0xF7A  }
0x26: {  	[smem:$0x3F9F] =	sst s1;
	(tag) =	ssettag s2;
	_ =	strace s9  }
0x27: {  	s1 =	sld [smem:$0x3FAF]  }
0x28: {  	s2 =	sld [smem:$0x3FB0]  }
0x29: {  	s4 =	sld [smem:$0x3FB2]  }
0x2a: {  	p0 =	seq.s32 s5, $0x0;
	s5 =	sld [smem:$0x3FB3]  }
0x2b: {  	s6 =	sld [smem:$0x3FB4]  }
0x2c: {  	s7 =	sld [smem:$0x3FB5]  }
0x2d: {  	s3 =	simm.s32 $0x108;
	s8 =	sld [smem:$0x3FB6]  }
0x2e: {  	s3 =	simm.s32 @!p0 $0x1082;
	s9 =	sld [smem:$0x3FB7]  }
0x2f: {  	lr =	sadd.s32 s0, s3;
	s0 =	sld [smem:$0x3FAE]  }
0x30: {  	s3 =	sld [smem:$0x3FB1]  }
0x31: {  	[smem:$0x3FBA] =	sst s10  }
0x32: {  	s10 =	sld [smem:$0x3FB8];
	_ =	sdelay $0x3  }
0x33: {  	p0 =	seq.s32 s10, $0x1;
	s10 =	sld [smem:$0x3FBA];
	_ =	sdelay $0x3  }
0x34: {  	[smem:$0x3FBA] =	sst s10  }
0x35: {  	s10 =	sld [smem:$0x3FB9];
	_ =	sdelay $0x3  }
0x36: {  	p1 =	seq.s32 s10, $0x1;
	s10 =	sld [smem:$0x3FBA];
	_ =	sdelay $0x3  }
0x37: {  	[smem:$0x3FBA] =	sst s10  }
0x38: {  	s10 =	sld [smem:$0x3FBB]  }
0x39: {  	_ = 	snop;
	(pc) =	sbr.ind lr, $3  }
0x3a: {  	_ = 	snop  }
0x3b: {  	_ = 	snop  }
0x3c: {  	p2 =	seq.s32 s10, $0x1;
	s10 =	sld [smem:$0x3FBA]  }
0x3d: {  	_ =	shalt  }
0x3e: {  	_ =	shalt  }
0x3f: {  	_ =	shalt  }
0x40: {  	_ =	shalt  }
0x41: {  	_ =	shalt  }
0x42: {  	_ =	shalt  }
0x43: {  	_ =	shalt  }
0x44: {  	_ =	shalt  }
0x45: {  	_ =	shalt  }
0x46: {  	_ =	shalt  }
0x47: {  	_ =	shalt  }
0x48: {  	_ =	shalt  }
0x49: {  	_ =	shalt  }
0x4a: {  	_ =	shalt  }
0x4b: {  	_ =	shalt  }
0x4c: {  	_ =	shalt  }
0x4d: {  	_ =	shalt  }
0x4e: {  	_ =	shalt  }
0x4f: {  	_ =	shalt  }
0x50: {  	_ =	shalt  }
0x51: {  	_ =	shalt  }
0x52: {  	_ =	shalt  }
0x53: {  	_ =	shalt  }
0x54: {  	_ =	shalt  }
0x55: {  	_ =	shalt  }
0x56: {  	_ =	shalt  }
0x57: {  	_ =	shalt  }
0x58: {  	_ =	shalt  }
0x59: {  	_ =	shalt  }
0x5a: {  	_ =	shalt  }
0x5b: {  	_ =	shalt  }
0x5c: {  	_ =	shalt  }
0x5d: {  	_ =	shalt  }
0x5e: {  	_ =	shalt  }
0x5f: {  	_ =	shalt  }
0x60: {  	_ =	shalt  }
0x61: {  	_ =	shalt  }
0x62: {  	_ =	shalt  }
0x63: {  	_ =	shalt  }
0x64: {  	_ =	shalt  }
0x65: {  	_ =	shalt  }
0x66: {  	_ =	shalt  }
0x67: {  	_ =	shalt  }
0x68: {  	_ =	shalt  }
0x69: {  	_ =	shalt  }
0x6a: {  	_ =	shalt  }
0x6b: {  	_ =	shalt  }
0x6c: {  	_ =	shalt  }
0x6d: {  	_ =	shalt  }
0x6e: {  	_ =	shalt  }
0x6f: {  	_ =	shalt  }
0x70: {  	_ =	shalt  }
0x71: {  	_ =	shalt  }
0x72: {  	_ =	shalt  }
0x73: {  	_ =	shalt  }
0x74: {  	_ =	shalt  }
0x75: {  	_ =	shalt  }
0x76: {  	_ =	shalt  }
0x77: {  	_ =	shalt  }
0x78: {  	_ =	shalt  }
0x79: {  	_ =	shalt  }
0x7a: {  	_ =	shalt  }
0x7b: {  	_ =	shalt  }
0x7c: {  	_ =	shalt  }
0x7d: {  	_ =	shalt  }
0x7e: {  	_ =	shalt  }
0x7f: {  	_ =	shalt  }
0x80: {  	_ =	shalt  }
0x81: {  	_ =	shalt  }
0x82: {  	_ =	shalt  }
0x83: {  	_ =	shalt  }
0x84: {  	_ =	shalt  }
0x85: {  	_ =	shalt  }
0x86: {  	_ =	shalt  }
0x87: {  	_ =	shalt  }
.Lfunc_end0:
.L_simem_size_0:
called_computation_lowered:
.L_overlay_start_0:
0x88: {  	s2 =	sld [smem:$0x3FD9]  }
0x89: {  	s3 =	sld [smem:$0x3FFE];
	_ =	sdelay $0x1  }
0x8a: {  	s1 =	srdreg.scid  }
0x8b: {  	s0 =	sand.u32 $0x1, s1  }
0x8c: {  	s15 =	sshll.u32 s0, $0xA;
	s2 =	sadd.s32 s3, s2  }
0x8d: {  	s2 =	sadd.s32 s2, s15  }
0x8e: {  	[smem:$0x3FC6] =	sst s2  }
0x8f: {  	_ = 	snop  }
0x90: {  	s2 =	sld [smem:$0x3FD0];
	_ =	sdelay $0x2  }
0x91: {  	s4 =	simm.s32 $0xA;
	s5 =	simm.s32 $0x10;
	s16 =	sld [smem:$0x3FC8]  }
0x92: {  	[smem:s5], [sflag:s4] =	dma.local [hbm:s2], $0x1  }
0x93: {  	_ =	swait.eq [sflag:s4], $0x1  }
0x94: {  	[sflag:s4] =	ssyncset.done $0x0  }
0x95: {  	s17 =	sld [smem:$0x10];
	[sflag:s4] =	ssyncadd.s32 $0xFFFFFFFF  }
0x96: {  	s18 =	sld [smem:$0x12];
	(tm) =	ssettm $0x1  }
0x97: {  	s19 =	sld [smem:$0x3FFB];
	_ =	sdelay $0x3  }
0x98: {  	_ =	strace s19  }
0x99: {  	s5 =	sld [smem:$0x3FFC];
	_ =	sdelay $0x3  }
0x9a: {  	_ =	strace s5  }
0x9b: {  	s5 =	sld [smem:$0x3FFD];
	_ =	sdelay $0x3  }
0x9c: {  	_ =	strace s5  }
0x9d: {  	_ =	strace $0x8FFFFFFF  }
0x9e: {  	s20 =	sld [smem:$0x3FDB];
	_ =	sdelay $0x1  }
0x9f: {  	s6 =	simm.s32 $_scs_section_size  }
0xa0: {  	s7 =	simm.s32 $_size__tile_overlayer_lowered;
	s8 =	simm.s32 $_tile_overlayer_lowered  }
0xa1: {  	s23 =	simm.s32 $0x1BFF;
	s22 =	sshll.u32 s8, $0x1;
	s5 =	sadd.s32 s6, s20  }
0xa2: {  	s9 =	simm.s32 $0x0;
	s21 =	sshll.u32 s7, $0x1;
	s7 =	sadd.s32 s22, s5  }
0xa3: {  	[timem:s9], [sflag:s23] =	dma.local [hbm:s7], s21  }
0xa4: {  	_ =	swait.ge [sflag:s23], s21  }
0xa5: {  	s6 =	ssub.s32 $0x0, s21;
	[sflag:s23] =	ssyncset.done $0x0  }
0xa6: {  	[sflag:s23] =	ssyncadd.s32 s6;
	_ =	sdelay $0x1  }
0xa7: {  	s24 =	simm.s32 $0x1B8B  }
0xa8: {  	_ =	swait.ge [sflag:s24], $0x1  }
0xa9: {  	[sflag:s24] =	ssyncset.done $0x0  }
0xaa: {  	s25 =	simm.s32 $0x1B8E;
	[sflag:s24] =	ssyncadd.s32 $0xFFFFFFFF  }
0xab: {  	s26 =	simm.s32 $execute0_lowered;
	[smem:$0x3FD2] =	sst s25  }
0xac: {  	s6 =	sshll.u32 s26, $0x1;
	_ =	strace $0x80000046;
	[dreg:$0x1] =	wrdreg $0xFFFFFFFF  }
0xad: {  	s28 =	simm.s32 $_size_execute0_lowered;
	s5 =	sadd.s32 s5, s6;
	[dreg:$0x0] =	wrdreg $0x0  }
0xae: {  	s6 =	sshll.u32 s28, $0x1;
	[dreg:$0x2] =	wrdreg s5  }
0xaf: {  	[dreg:$0x3] =	wrdreg s6  }
0xb0: {  	[dreg:$0x4] =	wrdreg $0xC0  }
0xb1: {  	_ =	task [dreg:s9], $0x5FFFF  }
0xb2: {  	[dreg:$0x1] =	wrdreg $0xFFFFFFFF  }
0xb3: {  	[dreg:$0x0] =	wrdreg $0x60  }
0xb4: {  	[dreg:$0x2] =	wrdreg s16  }
0xb5: {  	[dreg:$0x3] =	wrdreg s18  }
0xb6: {  	[dreg:$0x4] =	wrdreg s17  }
0xb7: {  	[dreg:$0x5] =	wrdreg $0x9  }
0xb8: {  	_ =	task.clear_ibuf [dreg:s9], $0x6FFFF;
	_ =	strace $0x90000046  }
0xb9: {  	s29 =	simm.s32 $0x9;
	_ =	strace $0x80000048  }
0xba: {  	_ =	swait.ge [sflag:s29], $0x1  }
0xbb: {  	[sflag:s29] =	ssyncadd.s32 $0xFFFFFFFF  }
0xbc: {  	_ =	strace $0x90000048  }
0xbd: {  	_ =	sfence  }
0xbe: {  	s30 =	sld [smem:$0x0];
	_ =	sdelay $0x2  }
0xbf: {  	s31 =	sshll.u32 s1, $0xD;
	s1 =	sshrl.u32 s1, $0x2  }
0xc0: {  	s3 =	sand.u32 $0x4000, s31;
	s1 =	sadd.s32 s1, s30  }
0xc1: {  	s0 =	sor.u32 s3, s0;
	s1 =	sshll.u32 s1, $0x11  }
0xc2: {  	s0 =	sor.u32 s1, s0  }
0xc3: {  	s0 =	sadd.s32 $0x8F2B, s0  }
0xc4: {  	[sflag:s0] =	ssyncadd.remote.s32 $0x1  }
0xc5: {  	_ =	sfence.sel $0xFFFF  }
0xc6: {  	[dreg:$0x0] =	wrdreg $0xFFFFFFFF;
	(pc) =	sbr.abs _section_cstart, $3  }
0xc7: {  	[dreg:$0x1] =	wrdreg $0xFFFFFFFF  }
0xc8: {  	_ =	task.clear_ibuf [dreg:s9], $0x2FFFF;
	_ =	strace $0x9FFFFFFF  }
0xc9: {  	(tm) =	ssettm $0x7FFFFFFF  }
tec
execute0_lowered:
.L_overlay_start_1:
0x0: {  	(tag) =	ssettag $0x1  }
0x1: {  	s1 =	rddreg [dreg:$0x0]  }
0x2: {  	s0 =	rddreg [dreg:$0x1]  }
0x3: {  	s9 =	rddreg [dreg:$0x2];
	s3 =	srdreg.scid  }
0x4: {  	s2 =	stileid.u32;
	s12 =	simm.s32 $0x200;
	s13 =	simm.s32 $0xA00  }
0x5: {  	s14 =	simm.s32 $0x1200;
	s15 =	simm.s32 $0x1A00;
	s16 =	simm.s32 $0x2200  }
0x6: {  	s17 =	simm.s32 $0x2A00;
	s18 =	simm.s32 $0x3200;
	s19 =	simm.s32 $0x3A00  }
0x7: {  	s28 =	simm.s32 $0x7A00;
	s29 =	simm.s32 $0x1;
	s30 =	simm.s32 $0x80  }
0x8: {  	s31 =	simm.s32 $0x100;
	s4 =	sand.u32 $0x1, s3;
	s3 =	simm.s32 $0x0  }
0x9: {  	s5 =	sshll.u32 s2, $0xA;
	s6 =	sshll.u32 s4, $0x9;
	[smem:$0x7FF] =	sst s3  }
0xa: {  	s4 =	ssub.s32 $0x2, s4;
	s7 =	sor.u32 s6, s5;
	_ =	strace $0x80000047  }
0xb: {  	s8 =	sshrl.u32 s4, $0x1;
	s5 =	sshrl.u32 s7, $0x3;
	s6 =	sshll.u32 s7, $0x5  }
0xc: {  	s10 =	ssub.s32 s4, s8;
	s21 =	sor.u32 $0x80, s7;
	s24 =	sor.u32 $0x100, s7  }
0xd: {  	s11 =	sor.u32 $0x180, s7;
	s5 =	sadd.s32 s0, s5;
	s20 =	sadd.s32 s9, s6  }
0xe: {  	s22 =	sshrl.u32 s21, $0x3;
	s23 =	sshll.u32 s21, $0x5;
	s25 =	sshrl.u32 s24, $0x3  }
0xf: {  	s8 =	sshll.u32 s24, $0x5;
	s26 =	sshrl.u32 s11, $0x3;
	s11 =	sshll.u32 s11, $0x5  }
0x10: {  	s10 =	smax.u32 s10, $0x1;
	s21 =	simm.s32 $0x4A00;
	[dreg:$0x4] =	wrdreg s5  }
0x11: {  	s24 =	simm.s32 $0x6200;
	[dreg:$0x5] =	wrdreg s20;
	s4 =	sadd.s32 s0, s22  }
0x12: {  	s5 =	sadd.s32 s9, s23;
	s6 =	sadd.s32 s0, s25;
	s7 =	sadd.s32 s9, s8  }
0x13: {  	v2 =	vlaneseq.u32;
	s8 =	sadd.s32 s0, s26;
	s9 =	sadd.s32 s9, s11;
	s11 =	simm.s32 $0x2  }
0x14: {  	vm0 =	vmmov $0xffff;
	v1 =	vshrl.u32 v2, $0x3;
	s20 =	simm.s32 $0x4200;
	s22 =	simm.s32 $0x5200;
	s23 =	simm.s32 $0x5A00  }
0x15: {  	v0 =	vand.u32 $0x7, v2;
	v2 =	vor.u32 $0x8, v2;
	v1 =	vmul.u32 $0x8, v1;
	s25 =	simm.s32 $0x6A00;
	s26 =	simm.s32 $0x7200;
	s0 =	simm.s32 $0x180  }
.LBB2_1:
0x16: {  	s2 =	rddreg [dreg:$0x4]  }
0x17: {  	[tilespmem:s3], [sflag:$0x2] =	stream.linear.gather [hbm4b:s2+s3], $0x80, $0x38;
	[tilespmem:$0x8200] =	vst v63  }
0x18: {  	_ =	swait.ge [sflag:s11], $0x80  }
0x19: {  	[sflag:s11] =	ssyncset.done $0x0  }
0x1a: {  	[sflag:s11] =	ssyncadd.s32 $0xFFFFFF80  }
0x1b: {  	v3 =	vld [tilespmem:$0x0];
	_ =	sdelay $0x4  }
0x1c: {  	v4 =	vshll.u32 v3, $0x1  }
0x1d: {  	v3 =	vand.u32 $0x7, v3;
	v4 =	vand.u32 $0xFFFFFFF0, v4  }
0x1e: {  	v3 =	vor.u32 v3, v4  }
0x1f: {  	v4 =	vperm.xlane v3, v0;
	_ =	sdelay $0x1  }
0x20: {  	v3 =	vperm.xlane v3, v2;
	v4 =	vadd.s32 v1, v4;
	_ =	sdelay $0x1  }
0x21: {  	v3 =	vadd.s32 v1, v3;
	_ =	sdelay $0x2  }
0x22: {  	[tilespmem:s12], [sflag:$0x1] =	stream.indirect_vreg.gather [hbm4b:s1+s3], $0x80, v4, vm0, $0xb8;
	[tilespmem:$0x8200] =	vst v63  }
0x23: {  	_ = 	snop  }
0x24: {  	[tilespmem:s13], [sflag:$0x1] =	stream.indirect_vreg.gather [hbm4b:s1+s3], $0x80, v3, vm0, $0xb8;
	[tilespmem:$0x8200] =	vst v63  }
0x25: {  	v3 =	vld [tilespmem:$0x10];
	_ =	sdelay $0x4  }
0x26: {  	v33 =	vshll.u32 v3, $0x1  }
0x27: {  	v3 =	vand.u32 $0x7, v3;
	v4 =	vand.u32 $0xFFFFFFF0, v33  }
0x28: {  	v3 =	vor.u32 v3, v4  }
0x29: {  	v4 =	vperm.xlane v3, v0;
	_ =	sdelay $0x1  }
0x2a: {  	v3 =	vperm.xlane v3, v2;
	v4 =	vadd.s32 v1, v4;
	_ =	sdelay $0x1  }
0x2b: {  	v3 =	vadd.s32 v1, v3;
	_ =	sdelay $0x2  }
0x2c: {  	[tilespmem:s14], [sflag:$0x1] =	stream.indirect_vreg.gather [hbm4b:s1+s3], $0x80, v4, vm0, $0xb8;
	[tilespmem:$0x8200] =	vst v63  }
0x2d: {  	_ = 	snop  }
0x2e: {  	[tilespmem:s15], [sflag:$0x1] =	stream.indirect_vreg.gather [hbm4b:s1+s3], $0x80, v3, vm0, $0xb8;
	[tilespmem:$0x8200] =	vst v63  }
0x2f: {  	v3 =	vld [tilespmem:$0x20];
	_ =	sdelay $0x4  }
0x30: {  	v34 =	vshll.u32 v3, $0x1  }
0x31: {  	v3 =	vand.u32 $0x7, v3;
	v4 =	vand.u32 $0xFFFFFFF0, v34  }
0x32: {  	v3 =	vor.u32 v3, v4  }
0x33: {  	v4 =	vperm.xlane v3, v0;
	_ =	sdelay $0x1  }
0x34: {  	v3 =	vperm.xlane v3, v2;
	v4 =	vadd.s32 v1, v4;
	_ =	sdelay $0x1  }
0x35: {  	v3 =	vadd.s32 v1, v3;
	_ =	sdelay $0x2  }
0x36: {  	[tilespmem:s16], [sflag:$0x1] =	stream.indirect_vreg.gather [hbm4b:s1+s3], $0x80, v4, vm0, $0xb8;
	[tilespmem:$0x8200] =	vst v63  }
0x37: {  	_ = 	snop  }
0x38: {  	[tilespmem:s17], [sflag:$0x1] =	stream.indirect_vreg.gather [hbm4b:s1+s3], $0x80, v3, vm0, $0xb8;
	[tilespmem:$0x8200] =	vst v63  }
0x39: {  	v3 =	vld [tilespmem:$0x30];
	_ =	sdelay $0x4  }
0x3a: {  	v35 =	vshll.u32 v3, $0x1  }
0x3b: {  	v3 =	vand.u32 $0x7, v3;
	v4 =	vand.u32 $0xFFFFFFF0, v35  }
0x3c: {  	v3 =	vor.u32 v3, v4  }
0x3d: {  	v4 =	vperm.xlane v3, v0;
	_ =	sdelay $0x1  }
0x3e: {  	v3 =	vperm.xlane v3, v2;
	v4 =	vadd.s32 v1, v4;
	_ =	sdelay $0x1  }
0x3f: {  	v3 =	vadd.s32 v1, v3;
	_ =	sdelay $0x2  }
0x40: {  	[tilespmem:s18], [sflag:$0x1] =	stream.indirect_vreg.gather [hbm4b:s1+s3], $0x80, v4, vm0, $0xb8;
	[tilespmem:$0x8200] =	vst v63  }
0x41: {  	_ = 	snop  }
0x42: {  	[tilespmem:s19], [sflag:$0x1] =	stream.indirect_vreg.gather [hbm4b:s1+s3], $0x80, v3, vm0, $0xb8;
	[tilespmem:$0x8200] =	vst v63  }
0x43: {  	v3 =	vld [tilespmem:$0x40];
	_ =	sdelay $0x4  }
0x44: {  	v36 =	vshll.u32 v3, $0x1  }
0x45: {  	v3 =	vand.u32 $0x7, v3;
	v4 =	vand.u32 $0xFFFFFFF0, v36  }
0x46: {  	v3 =	vor.u32 v3, v4  }
0x47: {  	v4 =	vperm.xlane v3, v0;
	_ =	sdelay $0x1  }
0x48: {  	v3 =	vperm.xlane v3, v2;
	v4 =	vadd.s32 v1, v4;
	_ =	sdelay $0x1  }
0x49: {  	v3 =	vadd.s32 v1, v3;
	_ =	sdelay $0x2  }
0x4a: {  	[tilespmem:s20], [sflag:$0x1] =	stream.indirect_vreg.gather [hbm4b:s1+s3], $0x80, v4, vm0, $0xb8;
	[tilespmem:$0x8200] =	vst v63  }
0x4b: {  	_ = 	snop  }
0x4c: {  	[tilespmem:s21], [sflag:$0x1] =	stream.indirect_vreg.gather [hbm4b:s1+s3], $0x80, v3, vm0, $0xb8;
	[tilespmem:$0x8200] =	vst v63  }
0x4d: {  	v3 =	vld [tilespmem:$0x50];
	_ =	sdelay $0x4  }
0x4e: {  	v37 =	vshll.u32 v3, $0x1  }
0x4f: {  	v3 =	vand.u32 $0x7, v3;
	v4 =	vand.u32 $0xFFFFFFF0, v37  }
0x50: {  	v3 =	vor.u32 v3, v4  }
0x51: {  	v4 =	vperm.xlane v3, v0;
	_ =	sdelay $0x1  }
0x52: {  	v3 =	vperm.xlane v3, v2;
	v4 =	vadd.s32 v1, v4;
	_ =	sdelay $0x1  }
0x53: {  	v3 =	vadd.s32 v1, v3;
	_ =	sdelay $0x2  }
0x54: {  	[tilespmem:s22], [sflag:$0x1] =	stream.indirect_vreg.gather [hbm4b:s1+s3], $0x80, v4, vm0, $0xb8;
	[tilespmem:$0x8200] =	vst v63  }
0x55: {  	_ = 	snop  }
0x56: {  	[tilespmem:s23], [sflag:$0x1] =	stream.indirect_vreg.gather [hbm4b:s1+s3], $0x80, v3, vm0, $0xb8;
	[tilespmem:$0x8200] =	vst v63  }
0x57: {  	v3 =	vld [tilespmem:$0x60];
	_ =	sdelay $0x4  }
0x58: {  	v38 =	vshll.u32 v3, $0x1  }
0x59: {  	v3 =	vand.u32 $0x7, v3;
	v4 =	vand.u32 $0xFFFFFFF0, v38  }
0x5a: {  	v3 =	vor.u32 v3, v4  }
0x5b: {  	v4 =	vperm.xlane v3, v0;
	_ =	sdelay $0x1  }
0x5c: {  	v3 =	vperm.xlane v3, v2;
	v4 =	vadd.s32 v1, v4;
	_ =	sdelay $0x1  }
0x5d: {  	v3 =	vadd.s32 v1, v3;
	_ =	sdelay $0x2  }
0x5e: {  	[tilespmem:s24], [sflag:$0x1] =	stream.indirect_vreg.gather [hbm4b:s1+s3], $0x80, v4, vm0, $0xb8;
	[tilespmem:$0x8200] =	vst v63  }
0x5f: {  	_ = 	snop  }
0x60: {  	[tilespmem:s25], [sflag:$0x1] =	stream.indirect_vreg.gather [hbm4b:s1+s3], $0x80, v3, vm0, $0xb8;
	[tilespmem:$0x8200] =	vst v63  }
0x61: {  	v3 =	vld [tilespmem:$0x70];
	_ =	sdelay $0x4  }
0x62: {  	v39 =	vshll.u32 v3, $0x1  }
0x63: {  	v3 =	vand.u32 $0x7, v3;
	v4 =	vand.u32 $0xFFFFFFF0, v39  }
0x64: {  	v3 =	vor.u32 v3, v4  }
0x65: {  	v4 =	vperm.xlane v3, v0;
	_ =	sdelay $0x1  }
0x66: {  	v3 =	vperm.xlane v3, v2;
	v4 =	vadd.s32 v1, v4;
	_ =	sdelay $0x1  }
0x67: {  	v3 =	vadd.s32 v1, v3;
	_ =	sdelay $0x2  }
0x68: {  	[tilespmem:s26], [sflag:$0x1] =	stream.indirect_vreg.gather [hbm4b:s1+s3], $0x80, v4, vm0, $0xb8;
	[tilespmem:$0x8200] =	vst v63  }
0x69: {  	_ = 	snop  }
0x6a: {  	[tilespmem:s28], [sflag:$0x1] =	stream.indirect_vreg.gather [hbm4b:s1+s3], $0x80, v3, vm0, $0xb8;
	[tilespmem:$0x8200] =	vst v63  }
0x6b: {  	_ =	swait.ge [sflag:s29], $0x8000  }
0x6c: {  	[sflag:s29] =	ssyncset.done $0x0  }
0x6d: {  	s2 =	rddreg [dreg:$0x5];
	[sflag:s29] =	ssyncadd.s32 $0xFFFF8000  }
0x6e: {  	[hbm4b:s2+s3] =	stream.linear.scatter [tilespmem:s12], [sflag:$0x2], $0x8000, $0x38;
	[tilespmem:$0x8200] =	vst v63  }
0x6f: {  	_ =	swait.ge [sflag:s11], $0x8000  }
0x70: {  	[sflag:s11] =	ssyncset.done $0x0  }
0x71: {  	[sflag:s11] =	ssyncadd.s32 $0xFFFF8000  }
0x72: {  	[tilespmem:s30], [sflag:$0x2] =	stream.linear.gather [hbm4b:s4+s3], $0x80, $0x38;
	[tilespmem:$0x8200] =	vst v63  }
0x73: {  	_ =	swait.ge [sflag:s11], $0x80  }
0x74: {  	[sflag:s11] =	ssyncset.done $0x0  }
0x75: {  	[sflag:s11] =	ssyncadd.s32 $0xFFFFFF80  }
0x76: {  	v3 =	vld [tilespmem:$0x80];
	_ =	sdelay $0x4  }
0x77: {  	v40 =	vshll.u32 v3, $0x1  }
0x78: {  	v3 =	vand.u32 $0x7, v3;
	v4 =	vand.u32 $0xFFFFFFF0, v40  }
0x79: {  	v3 =	vor.u32 v3, v4  }
0x7a: {  	v4 =	vperm.xlane v3, v0;
	_ =	sdelay $0x1  }
0x7b: {  	v3 =	vperm.xlane v3, v2;
	v4 =	vadd.s32 v1, v4;
	_ =	sdelay $0x1  }
0x7c: {  	v3 =	vadd.s32 v1, v3;
	_ =	sdelay $0x2  }
0x7d: {  	[tilespmem:s12], [sflag:$0x1] =	stream.indirect_vreg.gather [hbm4b:s1+s3], $0x80, v4, vm0, $0xb8;
	[tilespmem:$0x8200] =	vst v63  }
0x7e: {  	_ = 	snop  }
0x7f: {  	[tilespmem:s13], [sflag:$0x1] =	stream.indirect_vreg.gather [hbm4b:s1+s3], $0x80, v3, vm0, $0xb8;
	[tilespmem:$0x8200] =	vst v63  }
0x80: {  	v3 =	vld [tilespmem:$0x90];
	_ =	sdelay $0x4  }
0x81: {  	v41 =	vshll.u32 v3, $0x1  }
0x82: {  	v3 =	vand.u32 $0x7, v3;
	v4 =	vand.u32 $0xFFFFFFF0, v41  }
0x83: {  	v3 =	vor.u32 v3, v4  }
0x84: {  	v4 =	vperm.xlane v3, v0;
	_ =	sdelay $0x1  }
0x85: {  	v3 =	vperm.xlane v3, v2;
	v4 =	vadd.s32 v1, v4;
	_ =	sdelay $0x1  }
0x86: {  	v3 =	vadd.s32 v1, v3;
	_ =	sdelay $0x2  }
0x87: {  	[tilespmem:s14], [sflag:$0x1] =	stream.indirect_vreg.gather [hbm4b:s1+s3], $0x80, v4, vm0, $0xb8;
	[tilespmem:$0x8200] =	vst v63  }
0x88: {  	_ = 	snop  }
0x89: {  	[tilespmem:s15], [sflag:$0x1] =	stream.indirect_vreg.gather [hbm4b:s1+s3], $0x80, v3, vm0, $0xb8;
	[tilespmem:$0x8200] =	vst v63  }
0x8a: {  	v3 =	vld [tilespmem:$0xA0];
	_ =	sdelay $0x4  }
0x8b: {  	v42 =	vshll.u32 v3, $0x1  }
0x8c: {  	v3 =	vand.u32 $0x7, v3;
	v4 =	vand.u32 $0xFFFFFFF0, v42  }
0x8d: {  	v3 =	vor.u32 v3, v4  }
0x8e: {  	v4 =	vperm.xlane v3, v0;
	_ =	sdelay $0x1  }
0x8f: {  	v3 =	vperm.xlane v3, v2;
	v4 =	vadd.s32 v1, v4;
	_ =	sdelay $0x1  }
0x90: {  	v3 =	vadd.s32 v1, v3;
	_ =	sdelay $0x2  }
0x91: {  	[tilespmem:s16], [sflag:$0x1] =	stream.indirect_vreg.gather [hbm4b:s1+s3], $0x80, v4, vm0, $0xb8;
	[tilespmem:$0x8200] =	vst v63  }
0x92: {  	_ = 	snop  }
0x93: {  	[tilespmem:s17], [sflag:$0x1] =	stream.indirect_vreg.gather [hbm4b:s1+s3], $0x80, v3, vm0, $0xb8;
	[tilespmem:$0x8200] =	vst v63  }
0x94: {  	v3 =	vld [tilespmem:$0xB0];
	_ =	sdelay $0x4  }
0x95: {  	v43 =	vshll.u32 v3, $0x1  }
0x96: {  	v3 =	vand.u32 $0x7, v3;
	v4 =	vand.u32 $0xFFFFFFF0, v43  }
0x97: {  	v3 =	vor.u32 v3, v4  }
0x98: {  	v4 =	vperm.xlane v3, v0;
	_ =	sdelay $0x1  }
0x99: {  	v3 =	vperm.xlane v3, v2;
	v4 =	vadd.s32 v1, v4;
	_ =	sdelay $0x1  }
0x9a: {  	v3 =	vadd.s32 v1, v3;
	_ =	sdelay $0x2  }
0x9b: {  	[tilespmem:s18], [sflag:$0x1] =	stream.indirect_vreg.gather [hbm4b:s1+s3], $0x80, v4, vm0, $0xb8;
	[tilespmem:$0x8200] =	vst v63  }
0x9c: {  	_ = 	snop  }
0x9d: {  	[tilespmem:s19], [sflag:$0x1] =	stream.indirect_vreg.gather [hbm4b:s1+s3], $0x80, v3, vm0, $0xb8;
	[tilespmem:$0x8200] =	vst v63  }
0x9e: {  	v3 =	vld [tilespmem:$0xC0];
	_ =	sdelay $0x4  }
0x9f: {  	v44 =	vshll.u32 v3, $0x1  }
0xa0: {  	v3 =	vand.u32 $0x7, v3;
	v4 =	vand.u32 $0xFFFFFFF0, v44  }
0xa1: {  	v3 =	vor.u32 v3, v4  }
0xa2: {  	v4 =	vperm.xlane v3, v0;
	_ =	sdelay $0x1  }
0xa3: {  	v3 =	vperm.xlane v3, v2;
	v4 =	vadd.s32 v1, v4;
	_ =	sdelay $0x1  }
0xa4: {  	v3 =	vadd.s32 v1, v3;
	_ =	sdelay $0x2  }
0xa5: {  	[tilespmem:s20], [sflag:$0x1] =	stream.indirect_vreg.gather [hbm4b:s1+s3], $0x80, v4, vm0, $0xb8;
	[tilespmem:$0x8200] =	vst v63  }
0xa6: {  	_ = 	snop  }
0xa7: {  	[tilespmem:s21], [sflag:$0x1] =	stream.indirect_vreg.gather [hbm4b:s1+s3], $0x80, v3, vm0, $0xb8;
	[tilespmem:$0x8200] =	vst v63  }
0xa8: {  	v3 =	vld [tilespmem:$0xD0];
	_ =	sdelay $0x4  }
0xa9: {  	v45 =	vshll.u32 v3, $0x1  }
0xaa: {  	v3 =	vand.u32 $0x7, v3;
	v4 =	vand.u32 $0xFFFFFFF0, v45  }
0xab: {  	v3 =	vor.u32 v3, v4  }
0xac: {  	v4 =	vperm.xlane v3, v0;
	_ =	sdelay $0x1  }
0xad: {  	v3 =	vperm.xlane v3, v2;
	v4 =	vadd.s32 v1, v4;
	_ =	sdelay $0x1  }
0xae: {  	v3 =	vadd.s32 v1, v3;
	_ =	sdelay $0x2  }
0xaf: {  	[tilespmem:s22], [sflag:$0x1] =	stream.indirect_vreg.gather [hbm4b:s1+s3], $0x80, v4, vm0, $0xb8;
	[tilespmem:$0x8200] =	vst v63  }
0xb0: {  	_ = 	snop  }
0xb1: {  	[tilespmem:s23], [sflag:$0x1] =	stream.indirect_vreg.gather [hbm4b:s1+s3], $0x80, v3, vm0, $0xb8;
	[tilespmem:$0x8200] =	vst v63  }
0xb2: {  	v3 =	vld [tilespmem:$0xE0];
	_ =	sdelay $0x4  }
0xb3: {  	v46 =	vshll.u32 v3, $0x1  }
0xb4: {  	v3 =	vand.u32 $0x7, v3;
	v4 =	vand.u32 $0xFFFFFFF0, v46  }
0xb5: {  	v3 =	vor.u32 v3, v4  }
0xb6: {  	v4 =	vperm.xlane v3, v0;
	_ =	sdelay $0x1  }
0xb7: {  	v3 =	vperm.xlane v3, v2;
	v4 =	vadd.s32 v1, v4;
	_ =	sdelay $0x1  }
0xb8: {  	v3 =	vadd.s32 v1, v3;
	_ =	sdelay $0x2  }
0xb9: {  	[tilespmem:s24], [sflag:$0x1] =	stream.indirect_vreg.gather [hbm4b:s1+s3], $0x80, v4, vm0, $0xb8;
	[tilespmem:$0x8200] =	vst v63  }
0xba: {  	_ = 	snop  }
0xbb: {  	[tilespmem:s25], [sflag:$0x1] =	stream.indirect_vreg.gather [hbm4b:s1+s3], $0x80, v3, vm0, $0xb8;
	[tilespmem:$0x8200] =	vst v63  }
0xbc: {  	v3 =	vld [tilespmem:$0xF0];
	_ =	sdelay $0x4  }
0xbd: {  	v47 =	vshll.u32 v3, $0x1  }
0xbe: {  	v3 =	vand.u32 $0x7, v3;
	v4 =	vand.u32 $0xFFFFFFF0, v47  }
0xbf: {  	v3 =	vor.u32 v3, v4  }
0xc0: {  	v4 =	vperm.xlane v3, v0;
	_ =	sdelay $0x1  }
0xc1: {  	v3 =	vperm.xlane v3, v2;
	v4 =	vadd.s32 v1, v4;
	_ =	sdelay $0x1  }
0xc2: {  	v3 =	vadd.s32 v1, v3;
	_ =	sdelay $0x2  }
0xc3: {  	[tilespmem:s26], [sflag:$0x1] =	stream.indirect_vreg.gather [hbm4b:s1+s3], $0x80, v4, vm0, $0xb8;
	[tilespmem:$0x8200] =	vst v63  }
0xc4: {  	_ = 	snop  }
0xc5: {  	[tilespmem:s28], [sflag:$0x1] =	stream.indirect_vreg.gather [hbm4b:s1+s3], $0x80, v3, vm0, $0xb8;
	[tilespmem:$0x8200] =	vst v63  }
0xc6: {  	_ =	swait.ge [sflag:s29], $0x8000  }
0xc7: {  	[sflag:s29] =	ssyncset.done $0x0  }
0xc8: {  	[sflag:s29] =	ssyncadd.s32 $0xFFFF8000  }
0xc9: {  	[hbm4b:s5+s3] =	stream.linear.scatter [tilespmem:s12], [sflag:$0x2], $0x8000, $0x38;
	[tilespmem:$0x8200] =	vst v63  }
0xca: {  	_ =	swait.ge [sflag:s11], $0x8000  }
0xcb: {  	[sflag:s11] =	ssyncset.done $0x0  }
0xcc: {  	[sflag:s11] =	ssyncadd.s32 $0xFFFF8000  }
0xcd: {  	[tilespmem:s31], [sflag:$0x2] =	stream.linear.gather [hbm4b:s6+s3], $0x80, $0x38;
	[tilespmem:$0x8200] =	vst v63  }
0xce: {  	_ =	swait.ge [sflag:s11], $0x80  }
0xcf: {  	[sflag:s11] =	ssyncset.done $0x0  }
0xd0: {  	[sflag:s11] =	ssyncadd.s32 $0xFFFFFF80  }
0xd1: {  	v3 =	vld [tilespmem:$0x100];
	_ =	sdelay $0x4  }
0xd2: {  	v48 =	vshll.u32 v3, $0x1  }
0xd3: {  	v3 =	vand.u32 $0x7, v3;
	v4 =	vand.u32 $0xFFFFFFF0, v48  }
0xd4: {  	v3 =	vor.u32 v3, v4  }
0xd5: {  	v4 =	vperm.xlane v3, v0;
	_ =	sdelay $0x1  }
0xd6: {  	v3 =	vperm.xlane v3, v2;
	v4 =	vadd.s32 v1, v4;
	_ =	sdelay $0x1  }
0xd7: {  	v3 =	vadd.s32 v1, v3;
	_ =	sdelay $0x2  }
0xd8: {  	[tilespmem:s12], [sflag:$0x1] =	stream.indirect_vreg.gather [hbm4b:s1+s3], $0x80, v4, vm0, $0xb8;
	[tilespmem:$0x8200] =	vst v63  }
0xd9: {  	_ = 	snop  }
0xda: {  	[tilespmem:s13], [sflag:$0x1] =	stream.indirect_vreg.gather [hbm4b:s1+s3], $0x80, v3, vm0, $0xb8;
	[tilespmem:$0x8200] =	vst v63  }
0xdb: {  	v3 =	vld [tilespmem:$0x110];
	_ =	sdelay $0x4  }
0xdc: {  	v49 =	vshll.u32 v3, $0x1  }
0xdd: {  	v3 =	vand.u32 $0x7, v3;
	v4 =	vand.u32 $0xFFFFFFF0, v49  }
0xde: {  	v3 =	vor.u32 v3, v4  }
0xdf: {  	v4 =	vperm.xlane v3, v0;
	_ =	sdelay $0x1  }
0xe0: {  	v3 =	vperm.xlane v3, v2;
	v4 =	vadd.s32 v1, v4;
	_ =	sdelay $0x1  }
0xe1: {  	v3 =	vadd.s32 v1, v3;
	_ =	sdelay $0x2  }
0xe2: {  	[tilespmem:s14], [sflag:$0x1] =	stream.indirect_vreg.gather [hbm4b:s1+s3], $0x80, v4, vm0, $0xb8;
	[tilespmem:$0x8200] =	vst v63  }
0xe3: {  	_ = 	snop  }
0xe4: {  	[tilespmem:s15], [sflag:$0x1] =	stream.indirect_vreg.gather [hbm4b:s1+s3], $0x80, v3, vm0, $0xb8;
	[tilespmem:$0x8200] =	vst v63  }
0xe5: {  	v3 =	vld [tilespmem:$0x120];
	_ =	sdelay $0x4  }
0xe6: {  	v50 =	vshll.u32 v3, $0x1  }
0xe7: {  	v3 =	vand.u32 $0x7, v3;
	v4 =	vand.u32 $0xFFFFFFF0, v50  }
0xe8: {  	v3 =	vor.u32 v3, v4  }
0xe9: {  	v4 =	vperm.xlane v3, v0;
	_ =	sdelay $0x1  }
0xea: {  	v3 =	vperm.xlane v3, v2;
	v4 =	vadd.s32 v1, v4;
	_ =	sdelay $0x1  }
0xeb: {  	v3 =	vadd.s32 v1, v3;
	_ =	sdelay $0x2  }
0xec: {  	[tilespmem:s16], [sflag:$0x1] =	stream.indirect_vreg.gather [hbm4b:s1+s3], $0x80, v4, vm0, $0xb8;
	[tilespmem:$0x8200] =	vst v63  }
0xed: {  	_ = 	snop  }
0xee: {  	[tilespmem:s17], [sflag:$0x1] =	stream.indirect_vreg.gather [hbm4b:s1+s3], $0x80, v3, vm0, $0xb8;
	[tilespmem:$0x8200] =	vst v63  }
0xef: {  	v3 =	vld [tilespmem:$0x130];
	_ =	sdelay $0x4  }
0xf0: {  	v51 =	vshll.u32 v3, $0x1  }
0xf1: {  	v3 =	vand.u32 $0x7, v3;
	v4 =	vand.u32 $0xFFFFFFF0, v51  }
0xf2: {  	v3 =	vor.u32 v3, v4  }
0xf3: {  	v4 =	vperm.xlane v3, v0;
	_ =	sdelay $0x1  }
0xf4: {  	v3 =	vperm.xlane v3, v2;
	v4 =	vadd.s32 v1, v4;
	_ =	sdelay $0x1  }
0xf5: {  	v3 =	vadd.s32 v1, v3;
	_ =	sdelay $0x2  }
0xf6: {  	[tilespmem:s18], [sflag:$0x1] =	stream.indirect_vreg.gather [hbm4b:s1+s3], $0x80, v4, vm0, $0xb8;
	[tilespmem:$0x8200] =	vst v63  }
0xf7: {  	_ = 	snop  }
0xf8: {  	[tilespmem:s19], [sflag:$0x1] =	stream.indirect_vreg.gather [hbm4b:s1+s3], $0x80, v3, vm0, $0xb8;
	[tilespmem:$0x8200] =	vst v63  }
0xf9: {  	v3 =	vld [tilespmem:$0x140];
	_ =	sdelay $0x4  }
0xfa: {  	v52 =	vshll.u32 v3, $0x1  }
0xfb: {  	v3 =	vand.u32 $0x7, v3;
	v4 =	vand.u32 $0xFFFFFFF0, v52  }
0xfc: {  	v3 =	vor.u32 v3, v4  }
0xfd: {  	v4 =	vperm.xlane v3, v0;
	_ =	sdelay $0x1  }
0xfe: {  	v3 =	vperm.xlane v3, v2;
	v4 =	vadd.s32 v1, v4;
	_ =	sdelay $0x1  }
0xff: {  	v3 =	vadd.s32 v1, v3;
	_ =	sdelay $0x2  }
0x100: {  	[tilespmem:s20], [sflag:$0x1] =	stream.indirect_vreg.gather [hbm4b:s1+s3], $0x80, v4, vm0, $0xb8;
	[tilespmem:$0x8200] =	vst v63  }
0x101: {  	_ = 	snop  }
0x102: {  	[tilespmem:s21], [sflag:$0x1] =	stream.indirect_vreg.gather [hbm4b:s1+s3], $0x80, v3, vm0, $0xb8;
	[tilespmem:$0x8200] =	vst v63  }
0x103: {  	v3 =	vld [tilespmem:$0x150];
	_ =	sdelay $0x4  }
0x104: {  	v53 =	vshll.u32 v3, $0x1  }
0x105: {  	v3 =	vand.u32 $0x7, v3;
	v4 =	vand.u32 $0xFFFFFFF0, v53  }
0x106: {  	v3 =	vor.u32 v3, v4  }
0x107: {  	v4 =	vperm.xlane v3, v0;
	_ =	sdelay $0x1  }
0x108: {  	v3 =	vperm.xlane v3, v2;
	v4 =	vadd.s32 v1, v4;
	_ =	sdelay $0x1  }
0x109: {  	v3 =	vadd.s32 v1, v3;
	_ =	sdelay $0x2  }
0x10a: {  	[tilespmem:s22], [sflag:$0x1] =	stream.indirect_vreg.gather [hbm4b:s1+s3], $0x80, v4, vm0, $0xb8;
	[tilespmem:$0x8200] =	vst v63  }
0x10b: {  	_ = 	snop  }
0x10c: {  	[tilespmem:s23], [sflag:$0x1] =	stream.indirect_vreg.gather [hbm4b:s1+s3], $0x80, v3, vm0, $0xb8;
	[tilespmem:$0x8200] =	vst v63  }
0x10d: {  	v3 =	vld [tilespmem:$0x160];
	_ =	sdelay $0x4  }
0x10e: {  	v54 =	vshll.u32 v3, $0x1  }
0x10f: {  	v3 =	vand.u32 $0x7, v3;
	v4 =	vand.u32 $0xFFFFFFF0, v54  }
0x110: {  	v3 =	vor.u32 v3, v4  }
0x111: {  	v4 =	vperm.xlane v3, v0;
	_ =	sdelay $0x1  }
0x112: {  	v3 =	vperm.xlane v3, v2;
	v4 =	vadd.s32 v1, v4;
	_ =	sdelay $0x1  }
0x113: {  	v3 =	vadd.s32 v1, v3;
	_ =	sdelay $0x2  }
0x114: {  	[tilespmem:s24], [sflag:$0x1] =	stream.indirect_vreg.gather [hbm4b:s1+s3], $0x80, v4, vm0, $0xb8;
	[tilespmem:$0x8200] =	vst v63  }
0x115: {  	_ = 	snop  }
0x116: {  	[tilespmem:s25], [sflag:$0x1] =	stream.indirect_vreg.gather [hbm4b:s1+s3], $0x80, v3, vm0, $0xb8;
	[tilespmem:$0x8200] =	vst v63  }
0x117: {  	v3 =	vld [tilespmem:$0x170];
	_ =	sdelay $0x4  }
0x118: {  	v55 =	vshll.u32 v3, $0x1  }
0x119: {  	v3 =	vand.u32 $0x7, v3;
	v4 =	vand.u32 $0xFFFFFFF0, v55  }
0x11a: {  	v3 =	vor.u32 v3, v4  }
0x11b: {  	v4 =	vperm.xlane v3, v0;
	_ =	sdelay $0x1  }
0x11c: {  	v3 =	vperm.xlane v3, v2;
	v4 =	vadd.s32 v1, v4;
	_ =	sdelay $0x1  }
0x11d: {  	v3 =	vadd.s32 v1, v3;
	_ =	sdelay $0x2  }
0x11e: {  	[tilespmem:s26], [sflag:$0x1] =	stream.indirect_vreg.gather [hbm4b:s1+s3], $0x80, v4, vm0, $0xb8;
	[tilespmem:$0x8200] =	vst v63  }
0x11f: {  	_ = 	snop  }
0x120: {  	[tilespmem:s28], [sflag:$0x1] =	stream.indirect_vreg.gather [hbm4b:s1+s3], $0x80, v3, vm0, $0xb8;
	[tilespmem:$0x8200] =	vst v63  }
0x121: {  	_ =	swait.ge [sflag:s29], $0x8000  }
0x122: {  	[sflag:s29] =	ssyncset.done $0x0  }
0x123: {  	[sflag:s29] =	ssyncadd.s32 $0xFFFF8000  }
0x124: {  	[hbm4b:s7+s3] =	stream.linear.scatter [tilespmem:s12], [sflag:$0x2], $0x8000, $0x38;
	[tilespmem:$0x8200] =	vst v63  }
0x125: {  	_ =	swait.ge [sflag:s11], $0x8000  }
0x126: {  	[sflag:s11] =	ssyncset.done $0x0  }
0x127: {  	[sflag:s11] =	ssyncadd.s32 $0xFFFF8000  }
0x128: {  	[tilespmem:s0], [sflag:$0x2] =	stream.linear.gather [hbm4b:s8+s3], $0x80, $0x38;
	[tilespmem:$0x8200] =	vst v63  }
0x129: {  	_ =	swait.ge [sflag:s11], $0x80  }
0x12a: {  	[sflag:s11] =	ssyncset.done $0x0  }
0x12b: {  	[sflag:s11] =	ssyncadd.s32 $0xFFFFFF80  }
0x12c: {  	v3 =	vld [tilespmem:$0x180];
	_ =	sdelay $0x4  }
0x12d: {  	v56 =	vshll.u32 v3, $0x1  }
0x12e: {  	v3 =	vand.u32 $0x7, v3;
	v4 =	vand.u32 $0xFFFFFFF0, v56  }
0x12f: {  	v3 =	vor.u32 v3, v4  }
0x130: {  	v4 =	vperm.xlane v3, v0;
	_ =	sdelay $0x1  }
0x131: {  	v3 =	vperm.xlane v3, v2;
	v4 =	vadd.s32 v1, v4;
	_ =	sdelay $0x1  }
0x132: {  	v3 =	vadd.s32 v1, v3;
	_ =	sdelay $0x2  }
0x133: {  	[tilespmem:s12], [sflag:$0x1] =	stream.indirect_vreg.gather [hbm4b:s1+s3], $0x80, v4, vm0, $0xb8;
	[tilespmem:$0x8200] =	vst v63  }
0x134: {  	_ = 	snop  }
0x135: {  	[tilespmem:s13], [sflag:$0x1] =	stream.indirect_vreg.gather [hbm4b:s1+s3], $0x80, v3, vm0, $0xb8;
	[tilespmem:$0x8200] =	vst v63  }
0x136: {  	v3 =	vld [tilespmem:$0x190];
	_ =	sdelay $0x4  }
0x137: {  	v57 =	vshll.u32 v3, $0x1  }
0x138: {  	v3 =	vand.u32 $0x7, v3;
	v4 =	vand.u32 $0xFFFFFFF0, v57  }
0x139: {  	v3 =	vor.u32 v3, v4  }
0x13a: {  	v4 =	vperm.xlane v3, v0;
	_ =	sdelay $0x1  }
0x13b: {  	v3 =	vperm.xlane v3, v2;
	v4 =	vadd.s32 v1, v4;
	_ =	sdelay $0x1  }
0x13c: {  	v3 =	vadd.s32 v1, v3;
	_ =	sdelay $0x2  }
0x13d: {  	[tilespmem:s14], [sflag:$0x1] =	stream.indirect_vreg.gather [hbm4b:s1+s3], $0x80, v4, vm0, $0xb8;
	[tilespmem:$0x8200] =	vst v63  }
0x13e: {  	_ = 	snop  }
0x13f: {  	[tilespmem:s15], [sflag:$0x1] =	stream.indirect_vreg.gather [hbm4b:s1+s3], $0x80, v3, vm0, $0xb8;
	[tilespmem:$0x8200] =	vst v63  }
0x140: {  	v3 =	vld [tilespmem:$0x1A0];
	_ =	sdelay $0x4  }
0x141: {  	v58 =	vshll.u32 v3, $0x1  }
0x142: {  	v3 =	vand.u32 $0x7, v3;
	v4 =	vand.u32 $0xFFFFFFF0, v58  }
0x143: {  	v3 =	vor.u32 v3, v4  }
0x144: {  	v4 =	vperm.xlane v3, v0;
	_ =	sdelay $0x1  }
0x145: {  	v3 =	vperm.xlane v3, v2;
	v4 =	vadd.s32 v1, v4;
	_ =	sdelay $0x1  }
0x146: {  	v3 =	vadd.s32 v1, v3;
	_ =	sdelay $0x2  }
0x147: {  	[tilespmem:s16], [sflag:$0x1] =	stream.indirect_vreg.gather [hbm4b:s1+s3], $0x80, v4, vm0, $0xb8;
	[tilespmem:$0x8200] =	vst v63  }
0x148: {  	_ = 	snop  }
0x149: {  	[tilespmem:s17], [sflag:$0x1] =	stream.indirect_vreg.gather [hbm4b:s1+s3], $0x80, v3, vm0, $0xb8;
	[tilespmem:$0x8200] =	vst v63  }
0x14a: {  	v3 =	vld [tilespmem:$0x1B0];
	_ =	sdelay $0x4  }
0x14b: {  	v59 =	vshll.u32 v3, $0x1  }
0x14c: {  	v3 =	vand.u32 $0x7, v3;
	v4 =	vand.u32 $0xFFFFFFF0, v59  }
0x14d: {  	v3 =	vor.u32 v3, v4  }
0x14e: {  	v4 =	vperm.xlane v3, v0;
	_ =	sdelay $0x1  }
0x14f: {  	v3 =	vperm.xlane v3, v2;
	v4 =	vadd.s32 v1, v4;
	_ =	sdelay $0x1  }
0x150: {  	v3 =	vadd.s32 v1, v3;
	_ =	sdelay $0x2  }
0x151: {  	[tilespmem:s18], [sflag:$0x1] =	stream.indirect_vreg.gather [hbm4b:s1+s3], $0x80, v4, vm0, $0xb8;
	[tilespmem:$0x8200] =	vst v63  }
0x152: {  	_ = 	snop  }
0x153: {  	[tilespmem:s19], [sflag:$0x1] =	stream.indirect_vreg.gather [hbm4b:s1+s3], $0x80, v3, vm0, $0xb8;
	[tilespmem:$0x8200] =	vst v63  }
0x154: {  	v3 =	vld [tilespmem:$0x1C0];
	_ =	sdelay $0x4  }
0x155: {  	v60 =	vshll.u32 v3, $0x1  }
0x156: {  	v3 =	vand.u32 $0x7, v3;
	v4 =	vand.u32 $0xFFFFFFF0, v60  }
0x157: {  	v3 =	vor.u32 v3, v4  }
0x158: {  	v4 =	vperm.xlane v3, v0;
	_ =	sdelay $0x1  }
0x159: {  	v3 =	vperm.xlane v3, v2;
	v4 =	vadd.s32 v1, v4;
	_ =	sdelay $0x1  }
0x15a: {  	v3 =	vadd.s32 v1, v3;
	_ =	sdelay $0x2  }
0x15b: {  	[tilespmem:s20], [sflag:$0x1] =	stream.indirect_vreg.gather [hbm4b:s1+s3], $0x80, v4, vm0, $0xb8;
	[tilespmem:$0x8200] =	vst v63  }
0x15c: {  	_ = 	snop  }
0x15d: {  	[tilespmem:s21], [sflag:$0x1] =	stream.indirect_vreg.gather [hbm4b:s1+s3], $0x80, v3, vm0, $0xb8;
	[tilespmem:$0x8200] =	vst v63  }
0x15e: {  	v3 =	vld [tilespmem:$0x1D0];
	_ =	sdelay $0x4  }
0x15f: {  	v61 =	vshll.u32 v3, $0x1  }
0x160: {  	v3 =	vand.u32 $0x7, v3;
	v4 =	vand.u32 $0xFFFFFFF0, v61  }
0x161: {  	v3 =	vor.u32 v3, v4  }
0x162: {  	v4 =	vperm.xlane v3, v0;
	_ =	sdelay $0x1  }
0x163: {  	v3 =	vperm.xlane v3, v2;
	v4 =	vadd.s32 v1, v4;
	_ =	sdelay $0x1  }
0x164: {  	v3 =	vadd.s32 v1, v3;
	_ =	sdelay $0x2  }
0x165: {  	[tilespmem:s22], [sflag:$0x1] =	stream.indirect_vreg.gather [hbm4b:s1+s3], $0x80, v4, vm0, $0xb8;
	[tilespmem:$0x8200] =	vst v63  }
0x166: {  	_ = 	snop  }
0x167: {  	[tilespmem:s23], [sflag:$0x1] =	stream.indirect_vreg.gather [hbm4b:s1+s3], $0x80, v3, vm0, $0xb8;
	[tilespmem:$0x8200] =	vst v63  }
0x168: {  	v3 =	vld [tilespmem:$0x1E0];
	_ =	sdelay $0x4  }
0x169: {  	v62 =	vshll.u32 v3, $0x1  }
0x16a: {  	v3 =	vand.u32 $0x7, v3;
	v4 =	vand.u32 $0xFFFFFFF0, v62  }
0x16b: {  	v3 =	vor.u32 v3, v4  }
0x16c: {  	v4 =	vperm.xlane v3, v0;
	_ =	sdelay $0x1  }
0x16d: {  	v3 =	vperm.xlane v3, v2;
	v4 =	vadd.s32 v1, v4;
	_ =	sdelay $0x1  }
0x16e: {  	v3 =	vadd.s32 v1, v3;
	_ =	sdelay $0x2  }
0x16f: {  	[tilespmem:s24], [sflag:$0x1] =	stream.indirect_vreg.gather [hbm4b:s1+s3], $0x80, v4, vm0, $0xb8;
	[tilespmem:$0x8200] =	vst v63  }
0x170: {  	_ = 	snop  }
0x171: {  	[tilespmem:s25], [sflag:$0x1] =	stream.indirect_vreg.gather [hbm4b:s1+s3], $0x80, v3, vm0, $0xb8;
	[tilespmem:$0x8200] =	vst v63  }
0x172: {  	v3 =	vld [tilespmem:$0x1F0];
	_ =	sdelay $0x4  }
0x173: {  	v63 =	vshll.u32 v3, $0x1  }
0x174: {  	v3 =	vand.u32 $0x7, v3;
	v4 =	vand.u32 $0xFFFFFFF0, v63  }
0x175: {  	v3 =	vor.u32 v3, v4  }
0x176: {  	v4 =	vperm.xlane v3, v0;
	_ =	sdelay $0x1  }
0x177: {  	v3 =	vperm.xlane v3, v2;
	v4 =	vadd.s32 v1, v4;
	_ =	sdelay $0x1  }
0x178: {  	v3 =	vadd.s32 v1, v3;
	_ =	sdelay $0x2  }
0x179: {  	[tilespmem:s26], [sflag:$0x1] =	stream.indirect_vreg.gather [hbm4b:s1+s3], $0x80, v4, vm0, $0xb8;
	[tilespmem:$0x8200] =	vst v63  }
0x17a: {  	_ = 	snop  }
0x17b: {  	[tilespmem:s28], [sflag:$0x1] =	stream.indirect_vreg.gather [hbm4b:s1+s3], $0x80, v3, vm0, $0xb8;
	[tilespmem:$0x8200] =	vst v63  }
0x17c: {  	_ =	swait.ge [sflag:s29], $0x8000  }
0x17d: {  	p0 =	sne.s32 s10, $0x1;
	[sflag:s29] =	ssyncset.done $0x0  }
.Ltmp0:
0x17e: {  	[sflag:s29] =	ssyncadd.s32 $0xFFFF8000;
	(pc) =	sbr.rel @p0 .LBB2_1-.Ltmp0, $4  }
0x17f: {  	[hbm4b:s9+s3] =	stream.linear.scatter [tilespmem:s12], [sflag:$0x2], $0x8000, $0x38;
	[tilespmem:$0x8200] =	vst v63  }
0x180: {  	_ =	swait.ge [sflag:s11], $0x8000  }
0x181: {  	[sflag:s11] =	ssyncset.done $0x0  }
0x182: {  	s10 =	sadd.s32 $0xFFFFFFFF, s10;
	[sflag:s11] =	ssyncadd.s32 $0xFFFF8000  }
0x183: {  	_ =	sfence.sel $0x180000  }
0x184: {  	[bflag:$0x0] =	sbarrier.arrive $0xFFFF  }
0x185: {  	_ =	strace $0x90000047  }
0x186: {  	s0 =	stileid.u32;
	[bflag:$0x2] =	sbarrier.arrive $0xFFFF  }
0x187: {  	p0 =	sne.s32 s0, $0x0;
	s0 =	rddreg [dreg:$0x3]  }
0x188: {  	s0 =	sadd.s32 @!p0 $0x100000, s0  }
0x189: {  	[sflag:s0] =	ssyncadd.tile.s32 @!p0 $0x1;
	_ =	shalt  }
.Lfunc_end2:
_tile_overlayer_lowered:
.L_overlay_start_2:
0x18a: {  	(tag) =	ssettag $0x2  }
0x18b: {  	s0 =	rddreg [dreg:$0x0];
	s2 =	stileid.u32  }
0x18c: {  	s1 =	rddreg [dreg:$0x1];
	p0 =	sne.s32 s2, $0x0  }
0x18d: {  	s3 =	rddreg [dreg:$0x2];
	[bflag:$0x3] =	sbarrier.arrive $0xFFFF;
	s2 =	simm.s32 @!p0 $0x1C02  }
0x18e: {  	[timem:s3], [sflag:s2] =	dma.local @!p0 [hbm:s0], s1  }
0x18f: {  	s0 =	simm.s32 @!p0 $0x2  }
0x190: {  	_ =	swait.ge @!p0 [sflag:s0], s1  }
0x191: {  	s1 =	ssub.s32 @!p0 $0x0, s1;
	[sflag:s0] =	ssyncset.done @!p0 $0x0  }
0x192: {  	[sflag:s0] =	ssyncadd.s32 @!p0 s1  }
0x193: {  	[bflag:$0x3] =	sbarrier.arrive $0xFFFF  }
0x194: {  	_ =	shalt  }

</sc_bundles>
